<compile_context>
chip_gen: v7x
topology: tpu7x:2x2x1
jax: 0.10.2.dev20260603
libtpu: 0.0.44.dev20260713+nightly
codegen_flags: <defaults>
</compile_context>

<pallas_src>
import functools

import jax
import jax.numpy as jnp
from jax import lax
from jax.experimental import pallas as pl
from jax.experimental.pallas import tpu as pltpu
from jax.experimental.pallas import tpu_sc as plsc

_R_LO, _R_HI = 1.0, 5.0
_NC = 2
_NS = 16
_NW = _NC * _NS
_G = 8
_NB = 32768


def _tc_pack_groups(table_t):
    E, N = table_t.shape

    def body(t_ref, o_ref):
        y = t_ref[:].T.reshape(-1, _G, E)
        for q in range(_G):
            o_ref[:, q * E:(q + 1) * E] = y[:, q, :]

    return pl.pallas_call(
        body,
        grid=((N + _NB - 1) // _NB,),
        in_specs=[pl.BlockSpec((E, _NB), lambda c: (0, c))],
        out_specs=pl.BlockSpec((_NB // _G, _G * E), lambda c: (c, 0)),
        out_shape=jax.ShapeDtypeStruct((N // _G, _G * E), jnp.float32),
    )(table_t)


def _sc_gather_groups(idx, tab_g):
    B = idx.shape[0]
    b_per_w = B // _NW
    h = b_per_w // 2
    mesh = plsc.VectorSubcoreMesh(core_axis_name="c", subcore_axis_name="s")

    @functools.partial(
        pl.kernel,
        mesh=mesh,
        out_type=jax.ShapeDtypeStruct((B, 128), jnp.float32),
        scratch_types=[
            pltpu.VMEM((b_per_w,), jnp.int32),
            pltpu.VMEM((b_per_w,), jnp.int32),
            pltpu.VMEM((h, 128), jnp.float32),
            pltpu.VMEM((h, 128), jnp.float32),
            pltpu.SemaphoreType.DMA,
            pltpu.SemaphoreType.DMA,
        ],
    )
    def gather_kernel(idx_hbm, tab_hbm, out_hbm, idx_v, gid_v, buf0, buf1,
                      sem0, sem1):
        wid = lax.axis_index("s") * _NC + lax.axis_index("c")
        base = wid * b_per_w
        pltpu.sync_copy(idx_hbm.at[pl.ds(base, b_per_w)], idx_v)
        for j in range(b_per_w // 16):
            sl = pl.ds(j * 16, 16)
            gid_v[sl] = lax.shift_right_logical(idx_v[sl], 3)
        c0 = pltpu.async_copy(tab_hbm.at[gid_v.at[pl.ds(0, h)]], buf0, sem0)
        c1 = pltpu.async_copy(tab_hbm.at[gid_v.at[pl.ds(h, h)]], buf1, sem1)
        c0.wait()
        pltpu.sync_copy(buf0, out_hbm.at[pl.ds(base, h)])
        c1.wait()
        pltpu.sync_copy(buf1, out_hbm.at[pl.ds(base + h, h)])

    return gather_kernel(idx, tab_g)


def _tc_mlp(X, ug, ig, w1u_t, w1i_t, wg_t, bg2, w1g_t, b12, w2t, b22):
    B = X.shape[0]

    def body(x_ref, ug_ref, ig_ref, w1u_ref, w1i_ref, wg_ref, bg_ref,
             w1g_ref, b1_ref, w2_ref, b2_ref, o_ref):
        Bb = x_ref.shape[0]
        lane = lax.broadcasted_iota(jnp.int32, (Bb, 128), 1)
        ksel = lax.shift_right_logical(lane, 4)
        mu = jnp.bitwise_and(x_ref[:, 0:1], _G - 1)
        mi = jnp.bitwise_and(x_ref[:, 1:2], _G - 1)
        um = ug_ref[:] * (ksel == mu).astype(jnp.float32)
        im = ig_ref[:] * (ksel == mi).astype(jnp.float32)
        g = x_ref[:, 2:].astype(jnp.float32)
        eg = jnp.dot(g, wg_ref[:], preferred_element_type=jnp.float32) + bg_ref[:]
        hh = (jnp.dot(um, w1u_ref[:], preferred_element_type=jnp.float32)
              + jnp.dot(im, w1i_ref[:], preferred_element_type=jnp.float32)
              + jnp.dot(eg, w1g_ref[:], preferred_element_type=jnp.float32)
              + b1_ref[:])
        hh = jnp.maximum(hh, 0.0)
        p = jnp.dot(hh, w2_ref[:], preferred_element_type=jnp.float32) + b2_ref[:]
        o_ref[:] = jax.nn.sigmoid(p) * (_R_HI - _R_LO) + _R_LO

    Bb = 2048
    full = lambda shape: pl.BlockSpec(shape, lambda i: (0, 0))
    return pl.pallas_call(
        body,
        grid=(B // Bb,),
        in_specs=[
            pl.BlockSpec((Bb, X.shape[1]), lambda i: (i, 0)),
            pl.BlockSpec((Bb, 128), lambda i: (i, 0)),
            pl.BlockSpec((Bb, 128), lambda i: (i, 0)),
            full(w1u_t.shape),
            full(w1i_t.shape),
            full(wg_t.shape),
            full(bg2.shape),
            full(w1g_t.shape),
            full(b12.shape),
            full(w2t.shape),
            full(b22.shape),
        ],
        out_specs=pl.BlockSpec((Bb, 1), lambda i: (i, 0)),
        out_shape=jax.ShapeDtypeStruct((B, 1), jnp.float32),
    )(X, ug, ig, w1u_t, w1i_t, wg_t, bg2, w1g_t, b12, w2t, b22)


def kernel(X, user_table, item_table, Wg, bg, W1, b1, W2, b2):
    xu = X[:, 0]
    xi = X[:, 1]
    utab_g = _tc_pack_groups(user_table.T)
    ug = _sc_gather_groups(xu, utab_g)
    itab_g = _tc_pack_groups(item_table.T)
    ig = _sc_gather_groups(xi, itab_g)

    w1t = W1.T
    w1u_t = jnp.tile(w1t[0:16], (_G, 1))
    w1i_t = jnp.tile(w1t[16:32], (_G, 1))
    wg_t = Wg.T
    bg2 = bg.reshape(1, -1)
    w1g_t = w1t[32:48]
    b12 = b1.reshape(1, -1)
    w2t = W2.T
    b22 = b2.reshape(1, -1)
    return _tc_mlp(X, ug, ig, w1u_t, w1i_t, wg_t, bg2, w1g_t, b12, w2t, b22)

# --- scband reference (transcript-rebuilt; emitter-appended) ---
"""Pipeline reference for scband-nnhybrid-filtering-2860448219397 (READ-ONLY COPY).

The authoritative reference and input builder live on the scoring server;
editing this copy changes nothing except your own understanding.
"""

import jax, jax.numpy as jnp
import numpy as np

N_USERS = 1000000
N_ITEMS = 1000000
N_GENRES = 20
E_U = 16
E_I = 16
E_G = 16
N_ACT = 128
R_LO, R_HI = 1.0, 5.0
B = 16384


def setup_inputs(seed: int = 0) -> dict:
    key = jax.random.key(seed)
    ks = jax.random.split(key, 9)
    X = jax.random.randint(ks[0], (B, 2 + N_GENRES), 0, N_USERS, dtype=jnp.int32)
    user_table = jax.random.normal(ks[1], (N_USERS, E_U), dtype=jnp.float32)
    item_table = jax.random.normal(ks[2], (N_ITEMS, E_I), dtype=jnp.float32)
    Wg = jax.random.normal(ks[3], (E_G, N_GENRES), dtype=jnp.float32) * (1.0 / np.sqrt(N_GENRES))
    bg = jax.random.normal(ks[4], (E_G,), dtype=jnp.float32) * 0.01
    W1 = jax.random.normal(ks[5], (N_ACT, E_U + E_I + E_G), dtype=jnp.float32) * (1.0 / np.sqrt(E_U + E_I + E_G))
    b1 = jax.random.normal(ks[6], (N_ACT,), dtype=jnp.float32) * 0.01
    W2 = jax.random.normal(ks[7], (1, N_ACT), dtype=jnp.float32) * (1.0 / np.sqrt(N_ACT))
    b2 = jax.random.normal(ks[8], (1,), dtype=jnp.float32) * 0.01
    return {"X": X, "user_table": user_table, "item_table": item_table,
            "Wg": Wg, "bg": bg, "W1": W1, "b1": b1, "W2": W2, "b2": b2}


def reference(X, user_table, item_table, Wg, bg, W1, b1, W2, b2):
    embedded_users = jnp.take(user_table, X[:, 0], axis=0)
    embedded_items = jnp.take(item_table, X[:, 1], axis=0)
    genres = X[:, 2:].astype(jnp.float32)
    embedded_genres = genres @ Wg.T + bg
    embeddings = jnp.concatenate([embedded_users, embedded_items, embedded_genres], axis=1)
    preds = embeddings @ W1.T + b1
    preds = jax.nn.relu(preds)
    preds = preds @ W2.T + b2
    preds = jax.nn.sigmoid(preds) * (R_HI - R_LO) + R_LO
    return preds

if __name__ == "__main__":
    import jax
    _d = setup_inputs()
    print(jax.jit(kernel)(*tuple(_d.values())))

</pallas_src>

<mosaic_0001>
#map = affine_map<(d0, d1) -> (0)>
#map1 = affine_map<(d0, d1) -> (0, 0)>
module attributes {stable_mosaic.version = 14 : i64} {
  func.func @gather_kernel(%arg0: i32, %arg1: i32, %arg2: memref<16384xi32, #tpu.memory_space<hbm>>, %arg3: memref<125000x128xf32, #tpu.memory_space<hbm>>, %arg4: memref<16384x128xf32, #tpu.memory_space<hbm>>, %arg5: memref<512xi32, #tpu.memory_space<vmem>>, %arg6: memref<512xi32, #tpu.memory_space<vmem>>, %arg7: memref<256x128xf32, #tpu.memory_space<vmem>>, %arg8: memref<256x128xf32, #tpu.memory_space<vmem>>, %arg9: memref<!tpu.dma_semaphore, #tpu.memory_space<semaphore_mem>>, %arg10: memref<!tpu.dma_semaphore, #tpu.memory_space<semaphore_mem>>) attributes {dimension_semantics = [#tpu.dimension_semantics<core_parallel>, #tpu.dimension_semantics<subcore_parallel>], iteration_bounds = array<i64: 2, 16>, scalar_prefetch = 0 : i64, scratch_operands = 6 : i64, tpu.core_type = #tpu.core_type<sc_vector_subcore>, window_params = [{transform_indices = #map}, {transform_indices = #map1}, {transform_indices = #map1}]} {
    %mul3A = arith.constant 2 : i32
    %mul3A_0 = arith.muli %arg1, %mul3A : i32
    %add3A = arith.addi %mul3A_0, %arg0 : i32
    %mul3A_1 = arith.constant 512 : i32
    %mul3A_2 = arith.muli %add3A, %mul3A_1 : i32
    "tpu.region"() ({
      %run_scoped3A = tpu.sem_alloc : memref<!tpu.dma_semaphore, #tpu.memory_space<semaphore_mem>>
      %dma_start3A_340 = tpu.memref_slice %arg2[%mul3A_2] : memref<16384xi32, #tpu.memory_space<hbm>> -> memref<512xi32, #tpu.memory_space<hbm>>
      %dma_start3A_341 = tpu.memref_slice %arg2[%mul3A_2] : memref<16384xi32, #tpu.memory_space<hbm>> -> memref<512xi32, #tpu.memory_space<hbm>>
      tpu.enqueue_dma source(%dma_start3A_341 : memref<512xi32, #tpu.memory_space<hbm>>) target(%arg5 : memref<512xi32, #tpu.memory_space<vmem>>) target_semaphore(%run_scoped3A : memref<!tpu.dma_semaphore, #tpu.memory_space<semaphore_mem>>)
      %dma_wait3A_342 = tpu.memref_slice %arg2[%mul3A_2] : memref<16384xi32, #tpu.memory_space<hbm>> -> memref<512xi32, #tpu.memory_space<hbm>>
      %dma_wait3A_343 = tpu.memref_slice %arg2[%mul3A_2] : memref<16384xi32, #tpu.memory_space<hbm>> -> memref<512xi32, #tpu.memory_space<hbm>>
      tpu.wait_dma2 semaphore(%run_scoped3A : memref<!tpu.dma_semaphore, #tpu.memory_space<semaphore_mem>>) src(%dma_wait3A_343 : memref<512xi32, #tpu.memory_space<hbm>>) dst(%arg5 : memref<512xi32, #tpu.memory_space<vmem>>)
      tpu.yield
    }) : () -> ()
    %get3A = arith.constant 0 : index
    %get3A_3 = tpu.vector_load %arg5[%get3A] {strides = array<i32>} : memref<512xi32, #tpu.memory_space<vmem>>, vector<16xi32>,
    %get3A_4 = vector.shape_cast %get3A_3 : vector<16xi32> to vector<16xi32>
    %shift_right_logical3A = arith.constant 3 : i32
    %shift_right_logical3A_5 = vector.broadcast %shift_right_logical3A : i32 to vector<16xi32>
    %shift_right_logical3A_6 = arith.shrui %get3A_4, %shift_right_logical3A_5 : vector<16xi32>
    %swap3A = arith.constant 0 : index
    %swap3A_7 = tpu.vector_load %arg6[%swap3A] {strides = array<i32>} : memref<512xi32, #tpu.memory_space<vmem>>, vector<16xi32>,
    %swap3A_8 = vector.shape_cast %swap3A_7 : vector<16xi32> to vector<16xi32>
    %swap3A_9 = vector.shape_cast %shift_right_logical3A_6 : vector<16xi32> to vector<16xi32>
    tpu.vector_store %arg6[%swap3A], %swap3A_9 {strides = array<i32>} : memref<512xi32, #tpu.memory_space<vmem>>, vector<16xi32>,
    %get3A_10 = arith.constant 16 : index
    %get3A_11 = tpu.vector_load %arg5[%get3A_10] {strides = array<i32>} : memref<512xi32, #tpu.memory_space<vmem>>, vector<16xi32>,
    %get3A_12 = vector.shape_cast %get3A_11 : vector<16xi32> to vector<16xi32>
    %shift_right_logical3A_13 = arith.constant 3 : i32
    %shift_right_logical3A_14 = vector.broadcast %shift_right_logical3A_13 : i32 to vector<16xi32>
    %shift_right_logical3A_15 = arith.shrui %get3A_12, %shift_right_logical3A_14 : vector<16xi32>
    %swap3A_16 = arith.constant 16 : index
    %swap3A_17 = tpu.vector_load %arg6[%swap3A_16] {strides = array<i32>} : memref<512xi32, #tpu.memory_space<vmem>>, vector<16xi32>,
    %swap3A_18 = vector.shape_cast %swap3A_17 : vector<16xi32> to vector<16xi32>
    %swap3A_19 = vector.shape_cast %shift_right_logical3A_15 : vector<16xi32> to vector<16xi32>
    tpu.vector_store %arg6[%swap3A_16], %swap3A_19 {strides = array<i32>} : memref<512xi32, #tpu.memory_space<vmem>>, vector<16xi32>,
    %get3A_20 = arith.constant 32 : index
    %get3A_21 = tpu.vector_load %arg5[%get3A_20] {strides = array<i32>} : memref<512xi32, #tpu.memory_space<vmem>>, vector<16xi32>,
    %get3A_22 = vector.shape_cast %get3A_21 : vector<16xi32> to vector<16xi32>
    %shift_right_logical3A_23 = arith.constant 3 : i32
    %shift_right_logical3A_24 = vector.broadcast %shift_right_logical3A_23 : i32 to vector<16xi32>
    %shift_right_logical3A_25 = arith.shrui %get3A_22, %shift_right_logical3A_24 : vector<16xi32>
    %swap3A_26 = arith.constant 32 : index
    %swap3A_27 = tpu.vector_load %arg6[%swap3A_26] {strides = array<i32>} : memref<512xi32, #tpu.memory_space<vmem>>, vector<16xi32>,
    %swap3A_28 = vector.shape_cast %swap3A_27 : vector<16xi32> to vector<16xi32>
    %swap3A_29 = vector.shape_cast %shift_right_logical3A_25 : vector<16xi32> to vector<16xi32>
    tpu.vector_store %arg6[%swap3A_26], %swap3A_29 {strides = array<i32>} : memref<512xi32, #tpu.memory_space<vmem>>, vector<16xi32>,
    %get3A_30 = arith.constant 48 : index
    %get3A_31 = tpu.vector_load %arg5[%get3A_30] {strides = array<i32>} : memref<512xi32, #tpu.memory_space<vmem>>, vector<16xi32>,
    %get3A_32 = vector.shape_cast %get3A_31 : vector<16xi32> to vector<16xi32>
    %shift_right_logical3A_33 = arith.constant 3 : i32
    %shift_right_logical3A_34 = vector.broadcast %shift_right_logical3A_33 : i32 to vector<16xi32>
    %shift_right_logical3A_35 = arith.shrui %get3A_32, %shift_right_logical3A_34 : vector<16xi32>
    %swap3A_36 = arith.constant 48 : index
    %swap3A_37 = tpu.vector_load %arg6[%swap3A_36] {strides = array<i32>} : memref<512xi32, #tpu.memory_space<vmem>>, vector<16xi32>,
    %swap3A_38 = vector.shape_cast %swap3A_37 : vector<16xi32> to vector<16xi32>
    %swap3A_39 = vector.shape_cast %shift_right_logical3A_35 : vector<16xi32> to vector<16xi32>
    tpu.vector_store %arg6[%swap3A_36], %swap3A_39 {strides = array<i32>} : memref<512xi32, #tpu.memory_space<vmem>>, vector<16xi32>,
    %get3A_40 = arith.constant 64 : index
    %get3A_41 = tpu.vector_load %arg5[%get3A_40] {strides = array<i32>} : memref<512xi32, #tpu.memory_space<vmem>>, vector<16xi32>,
    %get3A_42 = vector.shape_cast %get3A_41 : vector<16xi32> to vector<16xi32>
    %shift_right_logical3A_43 = arith.constant 3 : i32
    %shift_right_logical3A_44 = vector.broadcast %shift_right_logical3A_43 : i32 to vector<16xi32>
    %shift_right_logical3A_45 = arith.shrui %get3A_42, %shift_right_logical3A_44 : vector<16xi32>
    %swap3A_46 = arith.constant 64 : index
    %swap3A_47 = tpu.vector_load %arg6[%swap3A_46] {strides = array<i32>} : memref<512xi32, #tpu.memory_space<vmem>>, vector<16xi32>,
    %swap3A_48 = vector.shape_cast %swap3A_47 : vector<16xi32> to vector<16xi32>
    %swap3A_49 = vector.shape_cast %shift_right_logical3A_45 : vector<16xi32> to vector<16xi32>
    tpu.vector_store %arg6[%swap3A_46], %swap3A_49 {strides = array<i32>} : memref<512xi32, #tpu.memory_space<vmem>>, vector<16xi32>,
    %get3A_50 = arith.constant 80 : index
    %get3A_51 = tpu.vector_load %arg5[%get3A_50] {strides = array<i32>} : memref<512xi32, #tpu.memory_space<vmem>>, vector<16xi32>,
    %get3A_52 = vector.shape_cast %get3A_51 : vector<16xi32> to vector<16xi32>
    %shift_right_logical3A_53 = arith.constant 3 : i32
    %shift_right_logical3A_54 = vector.broadcast %shift_right_logical3A_53 : i32 to vector<16xi32>
    %shift_right_logical3A_55 = arith.shrui %get3A_52, %shift_right_logical3A_54 : vector<16xi32>
    %swap3A_56 = arith.constant 80 : index
    %swap3A_57 = tpu.vector_load %arg6[%swap3A_56] {strides = array<i32>} : memref<512xi32, #tpu.memory_space<vmem>>, vector<16xi32>,
    %swap3A_58 = vector.shape_cast %swap3A_57 : vector<16xi32> to vector<16xi32>
    %swap3A_59 = vector.shape_cast %shift_right_logical3A_55 : vector<16xi32> to vector<16xi32>
    tpu.vector_store %arg6[%swap3A_56], %swap3A_59 {strides = array<i32>} : memref<512xi32, #tpu.memory_space<vmem>>, vector<16xi32>,
    %get3A_60 = arith.constant 96 : index
    %get3A_61 = tpu.vector_load %arg5[%get3A_60] {strides = array<i32>} : memref<512xi32, #tpu.memory_space<vmem>>, vector<16xi32>,
    %get3A_62 = vector.shape_cast %get3A_61 : vector<16xi32> to vector<16xi32>
    %shift_right_logical3A_63 = arith.constant 3 : i32
    %shift_right_logical3A_64 = vector.broadcast %shift_right_logical3A_63 : i32 to vector<16xi32>
    %shift_right_logical3A_65 = arith.shrui %get3A_62, %shift_right_logical3A_64 : vector<16xi32>
    %swap3A_66 = arith.constant 96 : index
    %swap3A_67 = tpu.vector_load %arg6[%swap3A_66] {strides = array<i32>} : memref<512xi32, #tpu.memory_space<vmem>>, vector<16xi32>,
    %swap3A_68 = vector.shape_cast %swap3A_67 : vector<16xi32> to vector<16xi32>
    %swap3A_69 = vector.shape_cast %shift_right_logical3A_65 : vector<16xi32> to vector<16xi32>
    tpu.vector_store %arg6[%swap3A_66], %swap3A_69 {strides = array<i32>} : memref<512xi32, #tpu.memory_space<vmem>>, vector<16xi32>,
    %get3A_70 = arith.constant 112 : index
    %get3A_71 = tpu.vector_load %arg5[%get3A_70] {strides = array<i32>} : memref<512xi32, #tpu.memory_space<vmem>>, vector<16xi32>,
    %get3A_72 = vector.shape_cast %get3A_71 : vector<16xi32> to vector<16xi32>
    %shift_right_logical3A_73 = arith.constant 3 : i32
    %shift_right_logical3A_74 = vector.broadcast %shift_right_logical3A_73 : i32 to vector<16xi32>
    %shift_right_logical3A_75 = arith.shrui %get3A_72, %shift_right_logical3A_74 : vector<16xi32>
    %swap3A_76 = arith.constant 112 : index
    %swap3A_77 = tpu.vector_load %arg6[%swap3A_76] {strides = array<i32>} : memref<512xi32, #tpu.memory_space<vmem>>, vector<16xi32>,
    %swap3A_78 = vector.shape_cast %swap3A_77 : vector<16xi32> to vector<16xi32>
    %swap3A_79 = vector.shape_cast %shift_right_logical3A_75 : vector<16xi32> to vector<16xi32>
    tpu.vector_store %arg6[%swap3A_76], %swap3A_79 {strides = array<i32>} : memref<512xi32, #tpu.memory_space<vmem>>, vector<16xi32>,
    %get3A_80 = arith.constant 128 : index
    %get3A_81 = tpu.vector_load %arg5[%get3A_80] {strides = array<i32>} : memref<512xi32, #tpu.memory_space<vmem>>, vector<16xi32>,
    %get3A_82 = vector.shape_cast %get3A_81 : vector<16xi32> to vector<16xi32>
    %shift_right_logical3A_83 = arith.constant 3 : i32
    %shift_right_logical3A_84 = vector.broadcast %shift_right_logical3A_83 : i32 to vector<16xi32>
    %shift_right_logical3A_85 = arith.shrui %get3A_82, %shift_right_logical3A_84 : vector<16xi32>
    %swap3A_86 = arith.constant 128 : index
    %swap3A_87 = tpu.vector_load %arg6[%swap3A_86] {strides = array<i32>} : memref<512xi32, #tpu.memory_space<vmem>>, vector<16xi32>,
    %swap3A_88 = vector.shape_cast %swap3A_87 : vector<16xi32> to vector<16xi32>
    %swap3A_89 = vector.shape_cast %shift_right_logical3A_85 : vector<16xi32> to vector<16xi32>
    tpu.vector_store %arg6[%swap3A_86], %swap3A_89 {strides = array<i32>} : memref<512xi32, #tpu.memory_space<vmem>>, vector<16xi32>,
    %get3A_90 = arith.constant 144 : index
    %get3A_91 = tpu.vector_load %arg5[%get3A_90] {strides = array<i32>} : memref<512xi32, #tpu.memory_space<vmem>>, vector<16xi32>,
    %get3A_92 = vector.shape_cast %get3A_91 : vector<16xi32> to vector<16xi32>
    %shift_right_logical3A_93 = arith.constant 3 : i32
    %shift_right_logical3A_94 = vector.broadcast %shift_right_logical3A_93 : i32 to vector<16xi32>
    %shift_right_logical3A_95 = arith.shrui %get3A_92, %shift_right_logical3A_94 : vector<16xi32>
    %swap3A_96 = arith.constant 144 : index
    %swap3A_97 = tpu.vector_load %arg6[%swap3A_96] {strides = array<i32>} : memref<512xi32, #tpu.memory_space<vmem>>, vector<16xi32>,
    %swap3A_98 = vector.shape_cast %swap3A_97 : vector<16xi32> to vector<16xi32>
    %swap3A_99 = vector.shape_cast %shift_right_logical3A_95 : vector<16xi32> to vector<16xi32>
    tpu.vector_store %arg6[%swap3A_96], %swap3A_99 {strides = array<i32>} : memref<512xi32, #tpu.memory_space<vmem>>, vector<16xi32>,
    %get3A_100 = arith.constant 160 : index
    %get3A_101 = tpu.vector_load %arg5[%get3A_100] {strides = array<i32>} : memref<512xi32, #tpu.memory_space<vmem>>, vector<16xi32>,
    %get3A_102 = vector.shape_cast %get3A_101 : vector<16xi32> to vector<16xi32>
    %shift_right_logical3A_103 = arith.constant 3 : i32
    %shift_right_logical3A_104 = vector.broadcast %shift_right_logical3A_103 : i32 to vector<16xi32>
    %shift_right_logical3A_105 = arith.shrui %get3A_102, %shift_right_logical3A_104 : vector<16xi32>
    %swap3A_106 = arith.constant 160 : index
    %swap3A_107 = tpu.vector_load %arg6[%swap3A_106] {strides = array<i32>} : memref<512xi32, #tpu.memory_space<vmem>>, vector<16xi32>,
    %swap3A_108 = vector.shape_cast %swap3A_107 : vector<16xi32> to vector<16xi32>
    %swap3A_109 = vector.shape_cast %shift_right_logical3A_105 : vector<16xi32> to vector<16xi32>
    tpu.vector_store %arg6[%swap3A_106], %swap3A_109 {strides = array<i32>} : memref<512xi32, #tpu.memory_space<vmem>>, vector<16xi32>,
    %get3A_110 = arith.constant 176 : index
    %get3A_111 = tpu.vector_load %arg5[%get3A_110] {strides = array<i32>} : memref<512xi32, #tpu.memory_space<vmem>>, vector<16xi32>,
    %get3A_112 = vector.shape_cast %get3A_111 : vector<16xi32> to vector<16xi32>
    %shift_right_logical3A_113 = arith.constant 3 : i32
    %shift_right_logical3A_114 = vector.broadcast %shift_right_logical3A_113 : i32 to vector<16xi32>
    %shift_right_logical3A_115 = arith.shrui %get3A_112, %shift_right_logical3A_114 : vector<16xi32>
    %swap3A_116 = arith.constant 176 : index
    %swap3A_117 = tpu.vector_load %arg6[%swap3A_116] {strides = array<i32>} : memref<512xi32, #tpu.memory_space<vmem>>, vector<16xi32>,
    %swap3A_118 = vector.shape_cast %swap3A_117 : vector<16xi32> to vector<16xi32>
    %swap3A_119 = vector.shape_cast %shift_right_logical3A_115 : vector<16xi32> to vector<16xi32>
    tpu.vector_store %arg6[%swap3A_116], %swap3A_119 {strides = array<i32>} : memref<512xi32, #tpu.memory_space<vmem>>, vector<16xi32>,
    %get3A_120 = arith.constant 192 : index
    %get3A_121 = tpu.vector_load %arg5[%get3A_120] {strides = array<i32>} : memref<512xi32, #tpu.memory_space<vmem>>, vector<16xi32>,
    %get3A_122 = vector.shape_cast %get3A_121 : vector<16xi32> to vector<16xi32>
    %shift_right_logical3A_123 = arith.constant 3 : i32
    %shift_right_logical3A_124 = vector.broadcast %shift_right_logical3A_123 : i32 to vector<16xi32>
    %shift_right_logical3A_125 = arith.shrui %get3A_122, %shift_right_logical3A_124 : vector<16xi32>
    %swap3A_126 = arith.constant 192 : index
    %swap3A_127 = tpu.vector_load %arg6[%swap3A_126] {strides = array<i32>} : memref<512xi32, #tpu.memory_space<vmem>>, vector<16xi32>,
    %swap3A_128 = vector.shape_cast %swap3A_127 : vector<16xi32> to vector<16xi32>
    %swap3A_129 = vector.shape_cast %shift_right_logical3A_125 : vector<16xi32> to vector<16xi32>
    tpu.vector_store %arg6[%swap3A_126], %swap3A_129 {strides = array<i32>} : memref<512xi32, #tpu.memory_space<vmem>>, vector<16xi32>,
    %get3A_130 = arith.constant 208 : index
    %get3A_131 = tpu.vector_load %arg5[%get3A_130] {strides = array<i32>} : memref<512xi32, #tpu.memory_space<vmem>>, vector<16xi32>,
    %get3A_132 = vector.shape_cast %get3A_131 : vector<16xi32> to vector<16xi32>
    %shift_right_logical3A_133 = arith.constant 3 : i32
    %shift_right_logical3A_134 = vector.broadcast %shift_right_logical3A_133 : i32 to vector<16xi32>
    %shift_right_logical3A_135 = arith.shrui %get3A_132, %shift_right_logical3A_134 : vector<16xi32>
    %swap3A_136 = arith.constant 208 : index
    %swap3A_137 = tpu.vector_load %arg6[%swap3A_136] {strides = array<i32>} : memref<512xi32, #tpu.memory_space<vmem>>, vector<16xi32>,
    %swap3A_138 = vector.shape_cast %swap3A_137 : vector<16xi32> to vector<16xi32>
    %swap3A_139 = vector.shape_cast %shift_right_logical3A_135 : vector<16xi32> to vector<16xi32>
    tpu.vector_store %arg6[%swap3A_136], %swap3A_139 {strides = array<i32>} : memref<512xi32, #tpu.memory_space<vmem>>, vector<16xi32>,
    %get3A_140 = arith.constant 224 : index
    %get3A_141 = tpu.vector_load %arg5[%get3A_140] {strides = array<i32>} : memref<512xi32, #tpu.memory_space<vmem>>, vector<16xi32>,
    %get3A_142 = vector.shape_cast %get3A_141 : vector<16xi32> to vector<16xi32>
    %shift_right_logical3A_143 = arith.constant 3 : i32
    %shift_right_logical3A_144 = vector.broadcast %shift_right_logical3A_143 : i32 to vector<16xi32>
    %shift_right_logical3A_145 = arith.shrui %get3A_142, %shift_right_logical3A_144 : vector<16xi32>
    %swap3A_146 = arith.constant 224 : index
    %swap3A_147 = tpu.vector_load %arg6[%swap3A_146] {strides = array<i32>} : memref<512xi32, #tpu.memory_space<vmem>>, vector<16xi32>,
    %swap3A_148 = vector.shape_cast %swap3A_147 : vector<16xi32> to vector<16xi32>
    %swap3A_149 = vector.shape_cast %shift_right_logical3A_145 : vector<16xi32> to vector<16xi32>
    tpu.vector_store %arg6[%swap3A_146], %swap3A_149 {strides = array<i32>} : memref<512xi32, #tpu.memory_space<vmem>>, vector<16xi32>,
    %get3A_150 = arith.constant 240 : index
    %get3A_151 = tpu.vector_load %arg5[%get3A_150] {strides = array<i32>} : memref<512xi32, #tpu.memory_space<vmem>>, vector<16xi32>,
    %get3A_152 = vector.shape_cast %get3A_151 : vector<16xi32> to vector<16xi32>
    %shift_right_logical3A_153 = arith.constant 3 : i32
    %shift_right_logical3A_154 = vector.broadcast %shift_right_logical3A_153 : i32 to vector<16xi32>
    %shift_right_logical3A_155 = arith.shrui %get3A_152, %shift_right_logical3A_154 : vector<16xi32>
    %swap3A_156 = arith.constant 240 : index
    %swap3A_157 = tpu.vector_load %arg6[%swap3A_156] {strides = array<i32>} : memref<512xi32, #tpu.memory_space<vmem>>, vector<16xi32>,
    %swap3A_158 = vector.shape_cast %swap3A_157 : vector<16xi32> to vector<16xi32>
    %swap3A_159 = vector.shape_cast %shift_right_logical3A_155 : vector<16xi32> to vector<16xi32>
    tpu.vector_store %arg6[%swap3A_156], %swap3A_159 {strides = array<i32>} : memref<512xi32, #tpu.memory_space<vmem>>, vector<16xi32>,
    %get3A_160 = arith.constant 256 : index
    %get3A_161 = tpu.vector_load %arg5[%get3A_160] {strides = array<i32>} : memref<512xi32, #tpu.memory_space<vmem>>, vector<16xi32>,
    %get3A_162 = vector.shape_cast %get3A_161 : vector<16xi32> to vector<16xi32>
    %shift_right_logical3A_163 = arith.constant 3 : i32
    %shift_right_logical3A_164 = vector.broadcast %shift_right_logical3A_163 : i32 to vector<16xi32>
    %shift_right_logical3A_165 = arith.shrui %get3A_162, %shift_right_logical3A_164 : vector<16xi32>
    %swap3A_166 = arith.constant 256 : index
    %swap3A_167 = tpu.vector_load %arg6[%swap3A_166] {strides = array<i32>} : memref<512xi32, #tpu.memory_space<vmem>>, vector<16xi32>,
    %swap3A_168 = vector.shape_cast %swap3A_167 : vector<16xi32> to vector<16xi32>
    %swap3A_169 = vector.shape_cast %shift_right_logical3A_165 : vector<16xi32> to vector<16xi32>
    tpu.vector_store %arg6[%swap3A_166], %swap3A_169 {strides = array<i32>} : memref<512xi32, #tpu.memory_space<vmem>>, vector<16xi32>,
    %get3A_170 = arith.constant 272 : index
    %get3A_171 = tpu.vector_load %arg5[%get3A_170] {strides = array<i32>} : memref<512xi32, #tpu.memory_space<vmem>>, vector<16xi32>,
    %get3A_172 = vector.shape_cast %get3A_171 : vector<16xi32> to vector<16xi32>
    %shift_right_logical3A_173 = arith.constant 3 : i32
    %shift_right_logical3A_174 = vector.broadcast %shift_right_logical3A_173 : i32 to vector<16xi32>
    %shift_right_logical3A_175 = arith.shrui %get3A_172, %shift_right_logical3A_174 : vector<16xi32>
    %swap3A_176 = arith.constant 272 : index
    %swap3A_177 = tpu.vector_load %arg6[%swap3A_176] {strides = array<i32>} : memref<512xi32, #tpu.memory_space<vmem>>, vector<16xi32>,
    %swap3A_178 = vector.shape_cast %swap3A_177 : vector<16xi32> to vector<16xi32>
    %swap3A_179 = vector.shape_cast %shift_right_logical3A_175 : vector<16xi32> to vector<16xi32>
    tpu.vector_store %arg6[%swap3A_176], %swap3A_179 {strides = array<i32>} : memref<512xi32, #tpu.memory_space<vmem>>, vector<16xi32>,
    %get3A_180 = arith.constant 288 : index
    %get3A_181 = tpu.vector_load %arg5[%get3A_180] {strides = array<i32>} : memref<512xi32, #tpu.memory_space<vmem>>, vector<16xi32>,
    %get3A_182 = vector.shape_cast %get3A_181 : vector<16xi32> to vector<16xi32>
    %shift_right_logical3A_183 = arith.constant 3 : i32
    %shift_right_logical3A_184 = vector.broadcast %shift_right_logical3A_183 : i32 to vector<16xi32>
    %shift_right_logical3A_185 = arith.shrui %get3A_182, %shift_right_logical3A_184 : vector<16xi32>
    %swap3A_186 = arith.constant 288 : index
    %swap3A_187 = tpu.vector_load %arg6[%swap3A_186] {strides = array<i32>} : memref<512xi32, #tpu.memory_space<vmem>>, vector<16xi32>,
    %swap3A_188 = vector.shape_cast %swap3A_187 : vector<16xi32> to vector<16xi32>
    %swap3A_189 = vector.shape_cast %shift_right_logical3A_185 : vector<16xi32> to vector<16xi32>
    tpu.vector_store %arg6[%swap3A_186], %swap3A_189 {strides = array<i32>} : memref<512xi32, #tpu.memory_space<vmem>>, vector<16xi32>,
    %get3A_190 = arith.constant 304 : index
    %get3A_191 = tpu.vector_load %arg5[%get3A_190] {strides = array<i32>} : memref<512xi32, #tpu.memory_space<vmem>>, vector<16xi32>,
    %get3A_192 = vector.shape_cast %get3A_191 : vector<16xi32> to vector<16xi32>
    %shift_right_logical3A_193 = arith.constant 3 : i32
    %shift_right_logical3A_194 = vector.broadcast %shift_right_logical3A_193 : i32 to vector<16xi32>
    %shift_right_logical3A_195 = arith.shrui %get3A_192, %shift_right_logical3A_194 : vector<16xi32>
    %swap3A_196 = arith.constant 304 : index
    %swap3A_197 = tpu.vector_load %arg6[%swap3A_196] {strides = array<i32>} : memref<512xi32, #tpu.memory_space<vmem>>, vector<16xi32>,
    %swap3A_198 = vector.shape_cast %swap3A_197 : vector<16xi32> to vector<16xi32>
    %swap3A_199 = vector.shape_cast %shift_right_logical3A_195 : vector<16xi32> to vector<16xi32>
    tpu.vector_store %arg6[%swap3A_196], %swap3A_199 {strides = array<i32>} : memref<512xi32, #tpu.memory_space<vmem>>, vector<16xi32>,
    %get3A_200 = arith.constant 320 : index
    %get3A_201 = tpu.vector_load %arg5[%get3A_200] {strides = array<i32>} : memref<512xi32, #tpu.memory_space<vmem>>, vector<16xi32>,
    %get3A_202 = vector.shape_cast %get3A_201 : vector<16xi32> to vector<16xi32>
    %shift_right_logical3A_203 = arith.constant 3 : i32
    %shift_right_logical3A_204 = vector.broadcast %shift_right_logical3A_203 : i32 to vector<16xi32>
    %shift_right_logical3A_205 = arith.shrui %get3A_202, %shift_right_logical3A_204 : vector<16xi32>
    %swap3A_206 = arith.constant 320 : index
    %swap3A_207 = tpu.vector_load %arg6[%swap3A_206] {strides = array<i32>} : memref<512xi32, #tpu.memory_space<vmem>>, vector<16xi32>,
    %swap3A_208 = vector.shape_cast %swap3A_207 : vector<16xi32> to vector<16xi32>
    %swap3A_209 = vector.shape_cast %shift_right_logical3A_205 : vector<16xi32> to vector<16xi32>
    tpu.vector_store %arg6[%swap3A_206], %swap3A_209 {strides = array<i32>} : memref<512xi32, #tpu.memory_space<vmem>>, vector<16xi32>,
    %get3A_210 = arith.constant 336 : index
    %get3A_211 = tpu.vector_load %arg5[%get3A_210] {strides = array<i32>} : memref<512xi32, #tpu.memory_space<vmem>>, vector<16xi32>,
    %get3A_212 = vector.shape_cast %get3A_211 : vector<16xi32> to vector<16xi32>
    %shift_right_logical3A_213 = arith.constant 3 : i32
    %shift_right_logical3A_214 = vector.broadcast %shift_right_logical3A_213 : i32 to vector<16xi32>
    %shift_right_logical3A_215 = arith.shrui %get3A_212, %shift_right_logical3A_214 : vector<16xi32>
    %swap3A_216 = arith.constant 336 : index
    %swap3A_217 = tpu.vector_load %arg6[%swap3A_216] {strides = array<i32>} : memref<512xi32, #tpu.memory_space<vmem>>, vector<16xi32>,
    %swap3A_218 = vector.shape_cast %swap3A_217 : vector<16xi32> to vector<16xi32>
    %swap3A_219 = vector.shape_cast %shift_right_logical3A_215 : vector<16xi32> to vector<16xi32>
    tpu.vector_store %arg6[%swap3A_216], %swap3A_219 {strides = array<i32>} : memref<512xi32, #tpu.memory_space<vmem>>, vector<16xi32>,
    %get3A_220 = arith.constant 352 : index
    %get3A_221 = tpu.vector_load %arg5[%get3A_220] {strides = array<i32>} : memref<512xi32, #tpu.memory_space<vmem>>, vector<16xi32>,
    %get3A_222 = vector.shape_cast %get3A_221 : vector<16xi32> to vector<16xi32>
    %shift_right_logical3A_223 = arith.constant 3 : i32
    %shift_right_logical3A_224 = vector.broadcast %shift_right_logical3A_223 : i32 to vector<16xi32>
    %shift_right_logical3A_225 = arith.shrui %get3A_222, %shift_right_logical3A_224 : vector<16xi32>
    %swap3A_226 = arith.constant 352 : index
    %swap3A_227 = tpu.vector_load %arg6[%swap3A_226] {strides = array<i32>} : memref<512xi32, #tpu.memory_space<vmem>>, vector<16xi32>,
    %swap3A_228 = vector.shape_cast %swap3A_227 : vector<16xi32> to vector<16xi32>
    %swap3A_229 = vector.shape_cast %shift_right_logical3A_225 : vector<16xi32> to vector<16xi32>
    tpu.vector_store %arg6[%swap3A_226], %swap3A_229 {strides = array<i32>} : memref<512xi32, #tpu.memory_space<vmem>>, vector<16xi32>,
    %get3A_230 = arith.constant 368 : index
    %get3A_231 = tpu.vector_load %arg5[%get3A_230] {strides = array<i32>} : memref<512xi32, #tpu.memory_space<vmem>>, vector<16xi32>,
    %get3A_232 = vector.shape_cast %get3A_231 : vector<16xi32> to vector<16xi32>
    %shift_right_logical3A_233 = arith.constant 3 : i32
    %shift_right_logical3A_234 = vector.broadcast %shift_right_logical3A_233 : i32 to vector<16xi32>
    %shift_right_logical3A_235 = arith.shrui %get3A_232, %shift_right_logical3A_234 : vector<16xi32>
    %swap3A_236 = arith.constant 368 : index
    %swap3A_237 = tpu.vector_load %arg6[%swap3A_236] {strides = array<i32>} : memref<512xi32, #tpu.memory_space<vmem>>, vector<16xi32>,
    %swap3A_238 = vector.shape_cast %swap3A_237 : vector<16xi32> to vector<16xi32>
    %swap3A_239 = vector.shape_cast %shift_right_logical3A_235 : vector<16xi32> to vector<16xi32>
    tpu.vector_store %arg6[%swap3A_236], %swap3A_239 {strides = array<i32>} : memref<512xi32, #tpu.memory_space<vmem>>, vector<16xi32>,
    %get3A_240 = arith.constant 384 : index
    %get3A_241 = tpu.vector_load %arg5[%get3A_240] {strides = array<i32>} : memref<512xi32, #tpu.memory_space<vmem>>, vector<16xi32>,
    %get3A_242 = vector.shape_cast %get3A_241 : vector<16xi32> to vector<16xi32>
    %shift_right_logical3A_243 = arith.constant 3 : i32
    %shift_right_logical3A_244 = vector.broadcast %shift_right_logical3A_243 : i32 to vector<16xi32>
    %shift_right_logical3A_245 = arith.shrui %get3A_242, %shift_right_logical3A_244 : vector<16xi32>
    %swap3A_246 = arith.constant 384 : index
    %swap3A_247 = tpu.vector_load %arg6[%swap3A_246] {strides = array<i32>} : memref<512xi32, #tpu.memory_space<vmem>>, vector<16xi32>,
    %swap3A_248 = vector.shape_cast %swap3A_247 : vector<16xi32> to vector<16xi32>
    %swap3A_249 = vector.shape_cast %shift_right_logical3A_245 : vector<16xi32> to vector<16xi32>
    tpu.vector_store %arg6[%swap3A_246], %swap3A_249 {strides = array<i32>} : memref<512xi32, #tpu.memory_space<vmem>>, vector<16xi32>,
    %get3A_250 = arith.constant 400 : index
    %get3A_251 = tpu.vector_load %arg5[%get3A_250] {strides = array<i32>} : memref<512xi32, #tpu.memory_space<vmem>>, vector<16xi32>,
    %get3A_252 = vector.shape_cast %get3A_251 : vector<16xi32> to vector<16xi32>
    %shift_right_logical3A_253 = arith.constant 3 : i32
    %shift_right_logical3A_254 = vector.broadcast %shift_right_logical3A_253 : i32 to vector<16xi32>
    %shift_right_logical3A_255 = arith.shrui %get3A_252, %shift_right_logical3A_254 : vector<16xi32>
    %swap3A_256 = arith.constant 400 : index
    %swap3A_257 = tpu.vector_load %arg6[%swap3A_256] {strides = array<i32>} : memref<512xi32, #tpu.memory_space<vmem>>, vector<16xi32>,
    %swap3A_258 = vector.shape_cast %swap3A_257 : vector<16xi32> to vector<16xi32>
    %swap3A_259 = vector.shape_cast %shift_right_logical3A_255 : vector<16xi32> to vector<16xi32>
    tpu.vector_store %arg6[%swap3A_256], %swap3A_259 {strides = array<i32>} : memref<512xi32, #tpu.memory_space<vmem>>, vector<16xi32>,
    %get3A_260 = arith.constant 416 : index
    %get3A_261 = tpu.vector_load %arg5[%get3A_260] {strides = array<i32>} : memref<512xi32, #tpu.memory_space<vmem>>, vector<16xi32>,
    %get3A_262 = vector.shape_cast %get3A_261 : vector<16xi32> to vector<16xi32>
    %shift_right_logical3A_263 = arith.constant 3 : i32
    %shift_right_logical3A_264 = vector.broadcast %shift_right_logical3A_263 : i32 to vector<16xi32>
    %shift_right_logical3A_265 = arith.shrui %get3A_262, %shift_right_logical3A_264 : vector<16xi32>
    %swap3A_266 = arith.constant 416 : index
    %swap3A_267 = tpu.vector_load %arg6[%swap3A_266] {strides = array<i32>} : memref<512xi32, #tpu.memory_space<vmem>>, vector<16xi32>,
    %swap3A_268 = vector.shape_cast %swap3A_267 : vector<16xi32> to vector<16xi32>
    %swap3A_269 = vector.shape_cast %shift_right_logical3A_265 : vector<16xi32> to vector<16xi32>
    tpu.vector_store %arg6[%swap3A_266], %swap3A_269 {strides = array<i32>} : memref<512xi32, #tpu.memory_space<vmem>>, vector<16xi32>,
    %get3A_270 = arith.constant 432 : index
    %get3A_271 = tpu.vector_load %arg5[%get3A_270] {strides = array<i32>} : memref<512xi32, #tpu.memory_space<vmem>>, vector<16xi32>,
    %get3A_272 = vector.shape_cast %get3A_271 : vector<16xi32> to vector<16xi32>
    %shift_right_logical3A_273 = arith.constant 3 : i32
    %shift_right_logical3A_274 = vector.broadcast %shift_right_logical3A_273 : i32 to vector<16xi32>
    %shift_right_logical3A_275 = arith.shrui %get3A_272, %shift_right_logical3A_274 : vector<16xi32>
    %swap3A_276 = arith.constant 432 : index
    %swap3A_277 = tpu.vector_load %arg6[%swap3A_276] {strides = array<i32>} : memref<512xi32, #tpu.memory_space<vmem>>, vector<16xi32>,
    %swap3A_278 = vector.shape_cast %swap3A_277 : vector<16xi32> to vector<16xi32>
    %swap3A_279 = vector.shape_cast %shift_right_logical3A_275 : vector<16xi32> to vector<16xi32>
    tpu.vector_store %arg6[%swap3A_276], %swap3A_279 {strides = array<i32>} : memref<512xi32, #tpu.memory_space<vmem>>, vector<16xi32>,
    %get3A_280 = arith.constant 448 : index
    %get3A_281 = tpu.vector_load %arg5[%get3A_280] {strides = array<i32>} : memref<512xi32, #tpu.memory_space<vmem>>, vector<16xi32>,
    %get3A_282 = vector.shape_cast %get3A_281 : vector<16xi32> to vector<16xi32>
    %shift_right_logical3A_283 = arith.constant 3 : i32
    %shift_right_logical3A_284 = vector.broadcast %shift_right_logical3A_283 : i32 to vector<16xi32>
    %shift_right_logical3A_285 = arith.shrui %get3A_282, %shift_right_logical3A_284 : vector<16xi32>
    %swap3A_286 = arith.constant 448 : index
    %swap3A_287 = tpu.vector_load %arg6[%swap3A_286] {strides = array<i32>} : memref<512xi32, #tpu.memory_space<vmem>>, vector<16xi32>,
    %swap3A_288 = vector.shape_cast %swap3A_287 : vector<16xi32> to vector<16xi32>
    %swap3A_289 = vector.shape_cast %shift_right_logical3A_285 : vector<16xi32> to vector<16xi32>
    tpu.vector_store %arg6[%swap3A_286], %swap3A_289 {strides = array<i32>} : memref<512xi32, #tpu.memory_space<vmem>>, vector<16xi32>,
    %get3A_290 = arith.constant 464 : index
    %get3A_291 = tpu.vector_load %arg5[%get3A_290] {strides = array<i32>} : memref<512xi32, #tpu.memory_space<vmem>>, vector<16xi32>,
    %get3A_292 = vector.shape_cast %get3A_291 : vector<16xi32> to vector<16xi32>
    %shift_right_logical3A_293 = arith.constant 3 : i32
    %shift_right_logical3A_294 = vector.broadcast %shift_right_logical3A_293 : i32 to vector<16xi32>
    %shift_right_logical3A_295 = arith.shrui %get3A_292, %shift_right_logical3A_294 : vector<16xi32>
    %swap3A_296 = arith.constant 464 : index
    %swap3A_297 = tpu.vector_load %arg6[%swap3A_296] {strides = array<i32>} : memref<512xi32, #tpu.memory_space<vmem>>, vector<16xi32>,
    %swap3A_298 = vector.shape_cast %swap3A_297 : vector<16xi32> to vector<16xi32>
    %swap3A_299 = vector.shape_cast %shift_right_logical3A_295 : vector<16xi32> to vector<16xi32>
    tpu.vector_store %arg6[%swap3A_296], %swap3A_299 {strides = array<i32>} : memref<512xi32, #tpu.memory_space<vmem>>, vector<16xi32>,
    %get3A_300 = arith.constant 480 : index
    %get3A_301 = tpu.vector_load %arg5[%get3A_300] {strides = array<i32>} : memref<512xi32, #tpu.memory_space<vmem>>, vector<16xi32>,
    %get3A_302 = vector.shape_cast %get3A_301 : vector<16xi32> to vector<16xi32>
    %shift_right_logical3A_303 = arith.constant 3 : i32
    %shift_right_logical3A_304 = vector.broadcast %shift_right_logical3A_303 : i32 to vector<16xi32>
    %shift_right_logical3A_305 = arith.shrui %get3A_302, %shift_right_logical3A_304 : vector<16xi32>
    %swap3A_306 = arith.constant 480 : index
    %swap3A_307 = tpu.vector_load %arg6[%swap3A_306] {strides = array<i32>} : memref<512xi32, #tpu.memory_space<vmem>>, vector<16xi32>,
    %swap3A_308 = vector.shape_cast %swap3A_307 : vector<16xi32> to vector<16xi32>
    %swap3A_309 = vector.shape_cast %shift_right_logical3A_305 : vector<16xi32> to vector<16xi32>
    tpu.vector_store %arg6[%swap3A_306], %swap3A_309 {strides = array<i32>} : memref<512xi32, #tpu.memory_space<vmem>>, vector<16xi32>,
    %get3A_310 = arith.constant 496 : index
    %get3A_311 = tpu.vector_load %arg5[%get3A_310] {strides = array<i32>} : memref<512xi32, #tpu.memory_space<vmem>>, vector<16xi32>,
    %get3A_312 = vector.shape_cast %get3A_311 : vector<16xi32> to vector<16xi32>
    %shift_right_logical3A_313 = arith.constant 3 : i32
    %shift_right_logical3A_314 = vector.broadcast %shift_right_logical3A_313 : i32 to vector<16xi32>
    %shift_right_logical3A_315 = arith.shrui %get3A_312, %shift_right_logical3A_314 : vector<16xi32>
    %swap3A_316 = arith.constant 496 : index
    %swap3A_317 = tpu.vector_load %arg6[%swap3A_316] {strides = array<i32>} : memref<512xi32, #tpu.memory_space<vmem>>, vector<16xi32>,
    %swap3A_318 = vector.shape_cast %swap3A_317 : vector<16xi32> to vector<16xi32>
    %swap3A_319 = vector.shape_cast %shift_right_logical3A_315 : vector<16xi32> to vector<16xi32>
    tpu.vector_store %arg6[%swap3A_316], %swap3A_319 {strides = array<i32>} : memref<512xi32, #tpu.memory_space<vmem>>, vector<16xi32>,
    %dma_start3A = arith.constant 0 : i32
    %dma_start3A_320 = tpu.memref_slice %arg6[%dma_start3A] : memref<512xi32, #tpu.memory_space<vmem>> -> memref<256xi32, #tpu.memory_space<vmem>>
    %dma_start3A_321 = arith.constant 0 : i32
    %dma_start3A_322 = arith.constant 0 : i32
    %dma_start3A_323 = tpu.memref_slice %arg3[%dma_start3A_321, %dma_start3A_322] : memref<125000x128xf32, #tpu.memory_space<hbm>> -> memref<125000x128xf32, #tpu.memory_space<hbm>>
    tpu.enqueue_indirect_dma source(%dma_start3A_323 : memref<125000x128xf32, #tpu.memory_space<hbm>>) target(%arg7 : memref<256x128xf32, #tpu.memory_space<vmem>>) offsets(%dma_start3A_320 : memref<256xi32, #tpu.memory_space<vmem>>) semaphore(%arg9 : memref<!tpu.dma_semaphore, #tpu.memory_space<semaphore_mem>>)
    %dma_start3A_324 = arith.constant 256 : i32
    %dma_start3A_325 = tpu.memref_slice %arg6[%dma_start3A_324] : memref<512xi32, #tpu.memory_space<vmem>> -> memref<256xi32, #tpu.memory_space<vmem>>
    %dma_start3A_326 = arith.constant 0 : i32
    %dma_start3A_327 = arith.constant 0 : i32
    %dma_start3A_328 = tpu.memref_slice %arg3[%dma_start3A_326, %dma_start3A_327] : memref<125000x128xf32, #tpu.memory_space<hbm>> -> memref<125000x128xf32, #tpu.memory_space<hbm>>
    tpu.enqueue_indirect_dma source(%dma_start3A_328 : memref<125000x128xf32, #tpu.memory_space<hbm>>) target(%arg8 : memref<256x128xf32, #tpu.memory_space<vmem>>) offsets(%dma_start3A_325 : memref<256xi32, #tpu.memory_space<vmem>>) semaphore(%arg10 : memref<!tpu.dma_semaphore, #tpu.memory_space<semaphore_mem>>)
    %dma_wait3A = arith.constant 0 : i32
    %dma_wait3A_329 = tpu.memref_slice %arg6[%dma_wait3A] : memref<512xi32, #tpu.memory_space<vmem>> -> memref<256xi32, #tpu.memory_space<vmem>>
    %dma_wait3A_330 = arith.constant 0 : i32
    %dma_wait3A_331 = arith.constant 0 : i32
    %dma_wait3A_332 = tpu.memref_slice %arg3[%dma_wait3A_330, %dma_wait3A_331] : memref<125000x128xf32, #tpu.memory_space<hbm>> -> memref<125000x128xf32, #tpu.memory_space<hbm>>
    tpu.wait_indirect_dma semaphore(%arg9 : memref<!tpu.dma_semaphore, #tpu.memory_space<semaphore_mem>>) src(%dma_wait3A_332 : memref<125000x128xf32, #tpu.memory_space<hbm>>) dst(%arg7 : memref<256x128xf32, #tpu.memory_space<vmem>>)
    "tpu.region"() ({
      %run_scoped3A = tpu.sem_alloc : memref<!tpu.dma_semaphore, #tpu.memory_space<semaphore_mem>>
      %dma_start3A_340 = arith.constant 0 : i32
      %dma_start3A_341 = tpu.memref_slice %arg4[%mul3A_2, %dma_start3A_340] : memref<16384x128xf32, #tpu.memory_space<hbm>> -> memref<256x128xf32, #tpu.memory_space<hbm>>
      %dma_start3A_342 = arith.constant 0 : i32
      %dma_start3A_343 = tpu.memref_slice %arg4[%mul3A_2, %dma_start3A_342] : memref<16384x128xf32, #tpu.memory_space<hbm>> -> memref<256x128xf32, #tpu.memory_space<hbm>>
      tpu.enqueue_dma source(%arg7 : memref<256x128xf32, #tpu.memory_space<vmem>>) target(%dma_start3A_343 : memref<256x128xf32, #tpu.memory_space<hbm>>) target_semaphore(%run_scoped3A : memref<!tpu.dma_semaphore, #tpu.memory_space<semaphore_mem>>)
      %dma_wait3A_344 = arith.constant 0 : i32
      %dma_wait3A_345 = tpu.memref_slice %arg4[%mul3A_2, %dma_wait3A_344] : memref<16384x128xf32, #tpu.memory_space<hbm>> -> memref<256x128xf32, #tpu.memory_space<hbm>>
      %dma_wait3A_346 = arith.constant 0 : i32
      %dma_wait3A_347 = tpu.memref_slice %arg4[%mul3A_2, %dma_wait3A_346] : memref<16384x128xf32, #tpu.memory_space<hbm>> -> memref<256x128xf32, #tpu.memory_space<hbm>>
      tpu.wait_dma2 semaphore(%run_scoped3A : memref<!tpu.dma_semaphore, #tpu.memory_space<semaphore_mem>>) src(%arg7 : memref<256x128xf32, #tpu.memory_space<vmem>>) dst(%dma_wait3A_347 : memref<256x128xf32, #tpu.memory_space<hbm>>)
      tpu.yield
    }) : () -> ()
    %dma_wait3A_333 = arith.constant 256 : i32
    %dma_wait3A_334 = tpu.memref_slice %arg6[%dma_wait3A_333] : memref<512xi32, #tpu.memory_space<vmem>> -> memref<256xi32, #tpu.memory_space<vmem>>
    %dma_wait3A_335 = arith.constant 0 : i32
    %dma_wait3A_336 = arith.constant 0 : i32
    %dma_wait3A_337 = tpu.memref_slice %arg3[%dma_wait3A_335, %dma_wait3A_336] : memref<125000x128xf32, #tpu.memory_space<hbm>> -> memref<125000x128xf32, #tpu.memory_space<hbm>>
    tpu.wait_indirect_dma semaphore(%arg10 : memref<!tpu.dma_semaphore, #tpu.memory_space<semaphore_mem>>) src(%dma_wait3A_337 : memref<125000x128xf32, #tpu.memory_space<hbm>>) dst(%arg8 : memref<256x128xf32, #tpu.memory_space<vmem>>)
    %add3A_338 = arith.constant 256 : i32
    %add3A_339 = arith.addi %mul3A_2, %add3A_338 : i32
    "tpu.region"() ({
      %run_scoped3A = tpu.sem_alloc : memref<!tpu.dma_semaphore, #tpu.memory_space<semaphore_mem>>
      %dma_start3A_340 = arith.constant 0 : i32
      %dma_start3A_341 = tpu.memref_slice %arg4[%add3A_339, %dma_start3A_340] : memref<16384x128xf32, #tpu.memory_space<hbm>> -> memref<256x128xf32, #tpu.memory_space<hbm>>
      %dma_start3A_342 = arith.constant 0 : i32
      %dma_start3A_343 = tpu.memref_slice %arg4[%add3A_339, %dma_start3A_342] : memref<16384x128xf32, #tpu.memory_space<hbm>> -> memref<256x128xf32, #tpu.memory_space<hbm>>
      tpu.enqueue_dma source(%arg8 : memref<256x128xf32, #tpu.memory_space<vmem>>) target(%dma_start3A_343 : memref<256x128xf32, #tpu.memory_space<hbm>>) target_semaphore(%run_scoped3A : memref<!tpu.dma_semaphore, #tpu.memory_space<semaphore_mem>>)
      %dma_wait3A_344 = arith.constant 0 : i32
      %dma_wait3A_345 = tpu.memref_slice %arg4[%add3A_339, %dma_wait3A_344] : memref<16384x128xf32, #tpu.memory_space<hbm>> -> memref<256x128xf32, #tpu.memory_space<hbm>>
      %dma_wait3A_346 = arith.constant 0 : i32
      %dma_wait3A_347 = tpu.memref_slice %arg4[%add3A_339, %dma_wait3A_346] : memref<16384x128xf32, #tpu.memory_space<hbm>> -> memref<256x128xf32, #tpu.memory_space<hbm>>
      tpu.wait_dma2 semaphore(%run_scoped3A : memref<!tpu.dma_semaphore, #tpu.memory_space<semaphore_mem>>) src(%arg8 : memref<256x128xf32, #tpu.memory_space<vmem>>) dst(%dma_wait3A_347 : memref<256x128xf32, #tpu.memory_space<hbm>>)
      tpu.yield
    }) : () -> ()
    return
  }
}

#map = affine_map<(d0, d1) -> (0)>
#map1 = affine_map<(d0, d1) -> (0, 0)>
module attributes {stable_mosaic.version = 14 : i64} {
  func.func @gather_kernel(%arg0: i32, %arg1: i32, %arg2: memref<16384xi32, #tpu.memory_space<hbm>>, %arg3: memref<125000x128xf32, #tpu.memory_space<hbm>>, %arg4: memref<16384x128xf32, #tpu.memory_space<hbm>>, %arg5: memref<512xi32, #tpu.memory_space<vmem>>, %arg6: memref<512xi32, #tpu.memory_space<vmem>>, %arg7: memref<256x128xf32, #tpu.memory_space<vmem>>, %arg8: memref<256x128xf32, #tpu.memory_space<vmem>>, %arg9: memref<!tpu.dma_semaphore, #tpu.memory_space<semaphore_mem>>, %arg10: memref<!tpu.dma_semaphore, #tpu.memory_space<semaphore_mem>>) attributes {dimension_semantics = [#tpu.dimension_semantics<core_parallel>, #tpu.dimension_semantics<subcore_parallel>], iteration_bounds = array<i64: 2, 16>, scalar_prefetch = 0 : i64, scratch_operands = 6 : i64, tpu.core_type = #tpu.core_type<sc_vector_subcore>, window_params = [{transform_indices = #map}, {transform_indices = #map1}, {transform_indices = #map1}]} {
    %mul3A = arith.constant 2 : i32
    %mul3A_0 = arith.muli %arg1, %mul3A : i32
    %add3A = arith.addi %mul3A_0, %arg0 : i32
    %mul3A_1 = arith.constant 512 : i32
    %mul3A_2 = arith.muli %add3A, %mul3A_1 : i32
    "tpu.region"() ({
      %run_scoped3A = tpu.sem_alloc : memref<!tpu.dma_semaphore, #tpu.memory_space<semaphore_mem>>
      %dma_start3A_340 = tpu.memref_slice %arg2[%mul3A_2] : memref<16384xi32, #tpu.memory_space<hbm>> -> memref<512xi32, #tpu.memory_space<hbm>>
      %dma_start3A_341 = tpu.memref_slice %arg2[%mul3A_2] : memref<16384xi32, #tpu.memory_space<hbm>> -> memref<512xi32, #tpu.memory_space<hbm>>
      tpu.enqueue_dma source(%dma_start3A_341 : memref<512xi32, #tpu.memory_space<hbm>>) target(%arg5 : memref<512xi32, #tpu.memory_space<vmem>>) target_semaphore(%run_scoped3A : memref<!tpu.dma_semaphore, #tpu.memory_space<semaphore_mem>>)
      %dma_wait3A_342 = tpu.memref_slice %arg2[%mul3A_2] : memref<16384xi32, #tpu.memory_space<hbm>> -> memref<512xi32, #tpu.memory_space<hbm>>
      %dma_wait3A_343 = tpu.memref_slice %arg2[%mul3A_2] : memref<16384xi32, #tpu.memory_space<hbm>> -> memref<512xi32, #tpu.memory_space<hbm>>
      tpu.wait_dma2 semaphore(%run_scoped3A : memref<!tpu.dma_semaphore, #tpu.memory_space<semaphore_mem>>) src(%dma_wait3A_343 : memref<512xi32, #tpu.memory_space<hbm>>) dst(%arg5 : memref<512xi32, #tpu.memory_space<vmem>>)
      tpu.yield
    }) : () -> ()
    %get3A = arith.constant 0 : index
    %get3A_3 = tpu.vector_load %arg5[%get3A] {strides = array<i32>} : memref<512xi32, #tpu.memory_space<vmem>>, vector<16xi32>,
    %get3A_4 = vector.shape_cast %get3A_3 : vector<16xi32> to vector<16xi32>
    %shift_right_logical3A = arith.constant 3 : i32
    %shift_right_logical3A_5 = vector.broadcast %shift_right_logical3A : i32 to vector<16xi32>
    %shift_right_logical3A_6 = arith.shrui %get3A_4, %shift_right_logical3A_5 : vector<16xi32>
    %swap3A = arith.constant 0 : index
    %swap3A_7 = tpu.vector_load %arg6[%swap3A] {strides = array<i32>} : memref<512xi32, #tpu.memory_space<vmem>>, vector<16xi32>,
    %swap3A_8 = vector.shape_cast %swap3A_7 : vector<16xi32> to vector<16xi32>
    %swap3A_9 = vector.shape_cast %shift_right_logical3A_6 : vector<16xi32> to vector<16xi32>
    tpu.vector_store %arg6[%swap3A], %swap3A_9 {strides = array<i32>} : memref<512xi32, #tpu.memory_space<vmem>>, vector<16xi32>,
    %get3A_10 = arith.constant 16 : index
    %get3A_11 = tpu.vector_load %arg5[%get3A_10] {strides = array<i32>} : memref<512xi32, #tpu.memory_space<vmem>>, vector<16xi32>,
    %get3A_12 = vector.shape_cast %get3A_11 : vector<16xi32> to vector<16xi32>
    %shift_right_logical3A_13 = arith.constant 3 : i32
    %shift_right_logical3A_14 = vector.broadcast %shift_right_logical3A_13 : i32 to vector<16xi32>
    %shift_right_logical3A_15 = arith.shrui %get3A_12, %shift_right_logical3A_14 : vector<16xi32>
    %swap3A_16 = arith.constant 16 : index
    %swap3A_17 = tpu.vector_load %arg6[%swap3A_16] {strides = array<i32>} : memref<512xi32, #tpu.memory_space<vmem>>, vector<16xi32>,
    %swap3A_18 = vector.shape_cast %swap3A_17 : vector<16xi32> to vector<16xi32>
    %swap3A_19 = vector.shape_cast %shift_right_logical3A_15 : vector<16xi32> to vector<16xi32>
    tpu.vector_store %arg6[%swap3A_16], %swap3A_19 {strides = array<i32>} : memref<512xi32, #tpu.memory_space<vmem>>, vector<16xi32>,
    %get3A_20 = arith.constant 32 : index
    %get3A_21 = tpu.vector_load %arg5[%get3A_20] {strides = array<i32>} : memref<512xi32, #tpu.memory_space<vmem>>, vector<16xi32>,
    %get3A_22 = vector.shape_cast %get3A_21 : vector<16xi32> to vector<16xi32>
    %shift_right_logical3A_23 = arith.constant 3 : i32
    %shift_right_logical3A_24 = vector.broadcast %shift_right_logical3A_23 : i32 to vector<16xi32>
    %shift_right_logical3A_25 = arith.shrui %get3A_22, %shift_right_logical3A_24 : vector<16xi32>
    %swap3A_26 = arith.constant 32 : index
    %swap3A_27 = tpu.vector_load %arg6[%swap3A_26] {strides = array<i32>} : memref<512xi32, #tpu.memory_space<vmem>>, vector<16xi32>,
    %swap3A_28 = vector.shape_cast %swap3A_27 : vector<16xi32> to vector<16xi32>
    %swap3A_29 = vector.shape_cast %shift_right_logical3A_25 : vector<16xi32> to vector<16xi32>
    tpu.vector_store %arg6[%swap3A_26], %swap3A_29 {strides = array<i32>} : memref<512xi32, #tpu.memory_space<vmem>>, vector<16xi32>,
    %get3A_30 = arith.constant 48 : index
    %get3A_31 = tpu.vector_load %arg5[%get3A_30] {strides = array<i32>} : memref<512xi32, #tpu.memory_space<vmem>>, vector<16xi32>,
    %get3A_32 = vector.shape_cast %get3A_31 : vector<16xi32> to vector<16xi32>
    %shift_right_logical3A_33 = arith.constant 3 : i32
    %shift_right_logical3A_34 = vector.broadcast %shift_right_logical3A_33 : i32 to vector<16xi32>
    %shift_right_logical3A_35 = arith.shrui %get3A_32, %shift_right_logical3A_34 : vector<16xi32>
    %swap3A_36 = arith.constant 48 : index
    %swap3A_37 = tpu.vector_load %arg6[%swap3A_36] {strides = array<i32>} : memref<512xi32, #tpu.memory_space<vmem>>, vector<16xi32>,
    %swap3A_38 = vector.shape_cast %swap3A_37 : vector<16xi32> to vector<16xi32>
    %swap3A_39 = vector.shape_cast %shift_right_logical3A_35 : vector<16xi32> to vector<16xi32>
    tpu.vector_store %arg6[%swap3A_36], %swap3A_39 {strides = array<i32>} : memref<512xi32, #tpu.memory_space<vmem>>, vector<16xi32>,
    %get3A_40 = arith.constant 64 : index
    %get3A_41 = tpu.vector_load %arg5[%get3A_40] {strides = array<i32>} : memref<512xi32, #tpu.memory_space<vmem>>, vector<16xi32>,
    %get3A_42 = vector.shape_cast %get3A_41 : vector<16xi32> to vector<16xi32>
    %shift_right_logical3A_43 = arith.constant 3 : i32
    %shift_right_logical3A_44 = vector.broadcast %shift_right_logical3A_43 : i32 to vector<16xi32>
    %shift_right_logical3A_45 = arith.shrui %get3A_42, %shift_right_logical3A_44 : vector<16xi32>
    %swap3A_46 = arith.constant 64 : index
    %swap3A_47 = tpu.vector_load %arg6[%swap3A_46] {strides = array<i32>} : memref<512xi32, #tpu.memory_space<vmem>>, vector<16xi32>,
    %swap3A_48 = vector.shape_cast %swap3A_47 : vector<16xi32> to vector<16xi32>
    %swap3A_49 = vector.shape_cast %shift_right_logical3A_45 : vector<16xi32> to vector<16xi32>
    tpu.vector_store %arg6[%swap3A_46], %swap3A_49 {strides = array<i32>} : memref<512xi32, #tpu.memory_space<vmem>>, vector<16xi32>,
    %get3A_50 = arith.constant 80 : index
    %get3A_51 = tpu.vector_load %arg5[%get3A_50] {strides = array<i32>} : memref<512xi32, #tpu.memory_space<vmem>>, vector<16xi32>,
    %get3A_52 = vector.shape_cast %get3A_51 : vector<16xi32> to vector<16xi32>
    %shift_right_logical3A_53 = arith.constant 3 : i32
    %shift_right_logical3A_54 = vector.broadcast %shift_right_logical3A_53 : i32 to vector<16xi32>
    %shift_right_logical3A_55 = arith.shrui %get3A_52, %shift_right_logical3A_54 : vector<16xi32>
    %swap3A_56 = arith.constant 80 : index
    %swap3A_57 = tpu.vector_load %arg6[%swap3A_56] {strides = array<i32>} : memref<512xi32, #tpu.memory_space<vmem>>, vector<16xi32>,
    %swap3A_58 = vector.shape_cast %swap3A_57 : vector<16xi32> to vector<16xi32>
    %swap3A_59 = vector.shape_cast %shift_right_logical3A_55 : vector<16xi32> to vector<16xi32>
    tpu.vector_store %arg6[%swap3A_56], %swap3A_59 {strides = array<i32>} : memref<512xi32, #tpu.memory_space<vmem>>, vector<16xi32>,
    %get3A_60 = arith.constant 96 : index
    %get3A_61 = tpu.vector_load %arg5[%get3A_60] {strides = array<i32>} : memref<512xi32, #tpu.memory_space<vmem>>, vector<16xi32>,
    %get3A_62 = vector.shape_cast %get3A_61 : vector<16xi32> to vector<16xi32>
    %shift_right_logical3A_63 = arith.constant 3 : i32
    %shift_right_logical3A_64 = vector.broadcast %shift_right_logical3A_63 : i32 to vector<16xi32>
    %shift_right_logical3A_65 = arith.shrui %get3A_62, %shift_right_logical3A_64 : vector<16xi32>
    %swap3A_66 = arith.constant 96 : index
    %swap3A_67 = tpu.vector_load %arg6[%swap3A_66] {strides = array<i32>} : memref<512xi32, #tpu.memory_space<vmem>>, vector<16xi32>,
    %swap3A_68 = vector.shape_cast %swap3A_67 : vector<16xi32> to vector<16xi32>
    %swap3A_69 = vector.shape_cast %shift_right_logical3A_65 : vector<16xi32> to vector<16xi32>
    tpu.vector_store %arg6[%swap3A_66], %swap3A_69 {strides = array<i32>} : memref<512xi32, #tpu.memory_space<vmem>>, vector<16xi32>,
    %get3A_70 = arith.constant 112 : index
    %get3A_71 = tpu.vector_load %arg5[%get3A_70] {strides = array<i32>} : memref<512xi32, #tpu.memory_space<vmem>>, vector<16xi32>,
    %get3A_72 = vector.shape_cast %get3A_71 : vector<16xi32> to vector<16xi32>
    %shift_right_logical3A_73 = arith.constant 3 : i32
    %shift_right_logical3A_74 = vector.broadcast %shift_right_logical3A_73 : i32 to vector<16xi32>
    %shift_right_logical3A_75 = arith.shrui %get3A_72, %shift_right_logical3A_74 : vector<16xi32>
    %swap3A_76 = arith.constant 112 : index
    %swap3A_77 = tpu.vector_load %arg6[%swap3A_76] {strides = array<i32>} : memref<512xi32, #tpu.memory_space<vmem>>, vector<16xi32>,
    %swap3A_78 = vector.shape_cast %swap3A_77 : vector<16xi32> to vector<16xi32>
    %swap3A_79 = vector.shape_cast %shift_right_logical3A_75 : vector<16xi32> to vector<16xi32>
    tpu.vector_store %arg6[%swap3A_76], %swap3A_79 {strides = array<i32>} : memref<512xi32, #tpu.memory_space<vmem>>, vector<16xi32>,
    %get3A_80 = arith.constant 128 : index
    %get3A_81 = tpu.vector_load %arg5[%get3A_80] {strides = array<i32>} : memref<512xi32, #tpu.memory_space<vmem>>, vector<16xi32>,
    %get3A_82 = vector.shape_cast %get3A_81 : vector<16xi32> to vector<16xi32>
    %shift_right_logical3A_83 = arith.constant 3 : i32
    %shift_right_logical3A_84 = vector.broadcast %shift_right_logical3A_83 : i32 to vector<16xi32>
    %shift_right_logical3A_85 = arith.shrui %get3A_82, %shift_right_logical3A_84 : vector<16xi32>
    %swap3A_86 = arith.constant 128 : index
    %swap3A_87 = tpu.vector_load %arg6[%swap3A_86] {strides = array<i32>} : memref<512xi32, #tpu.memory_space<vmem>>, vector<16xi32>,
    %swap3A_88 = vector.shape_cast %swap3A_87 : vector<16xi32> to vector<16xi32>
    %swap3A_89 = vector.shape_cast %shift_right_logical3A_85 : vector<16xi32> to vector<16xi32>
    tpu.vector_store %arg6[%swap3A_86], %swap3A_89 {strides = array<i32>} : memref<512xi32, #tpu.memory_space<vmem>>, vector<16xi32>,
    %get3A_90 = arith.constant 144 : index
    %get3A_91 = tpu.vector_load %arg5[%get3A_90] {strides = array<i32>} : memref<512xi32, #tpu.memory_space<vmem>>, vector<16xi32>,
    %get3A_92 = vector.shape_cast %get3A_91 : vector<16xi32> to vector<16xi32>
    %shift_right_logical3A_93 = arith.constant 3 : i32
    %shift_right_logical3A_94 = vector.broadcast %shift_right_logical3A_93 : i32 to vector<16xi32>
    %shift_right_logical3A_95 = arith.shrui %get3A_92, %shift_right_logical3A_94 : vector<16xi32>
    %swap3A_96 = arith.constant 144 : index
    %swap3A_97 = tpu.vector_load %arg6[%swap3A_96] {strides = array<i32>} : memref<512xi32, #tpu.memory_space<vmem>>, vector<16xi32>,
    %swap3A_98 = vector.shape_cast %swap3A_97 : vector<16xi32> to vector<16xi32>
    %swap3A_99 = vector.shape_cast %shift_right_logical3A_95 : vector<16xi32> to vector<16xi32>
    tpu.vector_store %arg6[%swap3A_96], %swap3A_99 {strides = array<i32>} : memref<512xi32, #tpu.memory_space<vmem>>, vector<16xi32>,
    %get3A_100 = arith.constant 160 : index
    %get3A_101 = tpu.vector_load %arg5[%get3A_100] {strides = array<i32>} : memref<512xi32, #tpu.memory_space<vmem>>, vector<16xi32>,
    %get3A_102 = vector.shape_cast %get3A_101 : vector<16xi32> to vector<16xi32>
    %shift_right_logical3A_103 = arith.constant 3 : i32
    %shift_right_logical3A_104 = vector.broadcast %shift_right_logical3A_103 : i32 to vector<16xi32>
    %shift_right_logical3A_105 = arith.shrui %get3A_102, %shift_right_logical3A_104 : vector<16xi32>
    %swap3A_106 = arith.constant 160 : index
    %swap3A_107 = tpu.vector_load %arg6[%swap3A_106] {strides = array<i32>} : memref<512xi32, #tpu.memory_space<vmem>>, vector<16xi32>,
    %swap3A_108 = vector.shape_cast %swap3A_107 : vector<16xi32> to vector<16xi32>
    %swap3A_109 = vector.shape_cast %shift_right_logical3A_105 : vector<16xi32> to vector<16xi32>
    tpu.vector_store %arg6[%swap3A_106], %swap3A_109 {strides = array<i32>} : memref<512xi32, #tpu.memory_space<vmem>>, vector<16xi32>,
    %get3A_110 = arith.constant 176 : index
    %get3A_111 = tpu.vector_load %arg5[%get3A_110] {strides = array<i32>} : memref<512xi32, #tpu.memory_space<vmem>>, vector<16xi32>,
    %get3A_112 = vector.shape_cast %get3A_111 : vector<16xi32> to vector<16xi32>
    %shift_right_logical3A_113 = arith.constant 3 : i32
    %shift_right_logical3A_114 = vector.broadcast %shift_right_logical3A_113 : i32 to vector<16xi32>
    %shift_right_logical3A_115 = arith.shrui %get3A_112, %shift_right_logical3A_114 : vector<16xi32>
    %swap3A_116 = arith.constant 176 : index
    %swap3A_117 = tpu.vector_load %arg6[%swap3A_116] {strides = array<i32>} : memref<512xi32, #tpu.memory_space<vmem>>, vector<16xi32>,
    %swap3A_118 = vector.shape_cast %swap3A_117 : vector<16xi32> to vector<16xi32>
    %swap3A_119 = vector.shape_cast %shift_right_logical3A_115 : vector<16xi32> to vector<16xi32>
    tpu.vector_store %arg6[%swap3A_116], %swap3A_119 {strides = array<i32>} : memref<512xi32, #tpu.memory_space<vmem>>, vector<16xi32>,
    %get3A_120 = arith.constant 192 : index
    %get3A_121 = tpu.vector_load %arg5[%get3A_120] {strides = array<i32>} : memref<512xi32, #tpu.memory_space<vmem>>, vector<16xi32>,
    %get3A_122 = vector.shape_cast %get3A_121 : vector<16xi32> to vector<16xi32>
    %shift_right_logical3A_123 = arith.constant 3 : i32
    %shift_right_logical3A_124 = vector.broadcast %shift_right_logical3A_123 : i32 to vector<16xi32>
    %shift_right_logical3A_125 = arith.shrui %get3A_122, %shift_right_logical3A_124 : vector<16xi32>
    %swap3A_126 = arith.constant 192 : index
    %swap3A_127 = tpu.vector_load %arg6[%swap3A_126] {strides = array<i32>} : memref<512xi32, #tpu.memory_space<vmem>>, vector<16xi32>,
    %swap3A_128 = vector.shape_cast %swap3A_127 : vector<16xi32> to vector<16xi32>
    %swap3A_129 = vector.shape_cast %shift_right_logical3A_125 : vector<16xi32> to vector<16xi32>
    tpu.vector_store %arg6[%swap3A_126], %swap3A_129 {strides = array<i32>} : memref<512xi32, #tpu.memory_space<vmem>>, vector<16xi32>,
    %get3A_130 = arith.constant 208 : index
    %get3A_131 = tpu.vector_load %arg5[%get3A_130] {strides = array<i32>} : memref<512xi32, #tpu.memory_space<vmem>>, vector<16xi32>,
    %get3A_132 = vector.shape_cast %get3A_131 : vector<16xi32> to vector<16xi32>
    %shift_right_logical3A_133 = arith.constant 3 : i32
    %shift_right_logical3A_134 = vector.broadcast %shift_right_logical3A_133 : i32 to vector<16xi32>
    %shift_right_logical3A_135 = arith.shrui %get3A_132, %shift_right_logical3A_134 : vector<16xi32>
    %swap3A_136 = arith.constant 208 : index
    %swap3A_137 = tpu.vector_load %arg6[%swap3A_136] {strides = array<i32>} : memref<512xi32, #tpu.memory_space<vmem>>, vector<16xi32>,
    %swap3A_138 = vector.shape_cast %swap3A_137 : vector<16xi32> to vector<16xi32>
    %swap3A_139 = vector.shape_cast %shift_right_logical3A_135 : vector<16xi32> to vector<16xi32>
    tpu.vector_store %arg6[%swap3A_136], %swap3A_139 {strides = array<i32>} : memref<512xi32, #tpu.memory_space<vmem>>, vector<16xi32>,
    %get3A_140 = arith.constant 224 : index
    %get3A_141 = tpu.vector_load %arg5[%get3A_140] {strides = array<i32>} : memref<512xi32, #tpu.memory_space<vmem>>, vector<16xi32>,
    %get3A_142 = vector.shape_cast %get3A_141 : vector<16xi32> to vector<16xi32>
    %shift_right_logical3A_143 = arith.constant 3 : i32
    %shift_right_logical3A_144 = vector.broadcast %shift_right_logical3A_143 : i32 to vector<16xi32>
    %shift_right_logical3A_145 = arith.shrui %get3A_142, %shift_right_logical3A_144 : vector<16xi32>
    %swap3A_146 = arith.constant 224 : index
    %swap3A_147 = tpu.vector_load %arg6[%swap3A_146] {strides = array<i32>} : memref<512xi32, #tpu.memory_space<vmem>>, vector<16xi32>,
    %swap3A_148 = vector.shape_cast %swap3A_147 : vector<16xi32> to vector<16xi32>
    %swap3A_149 = vector.shape_cast %shift_right_logical3A_145 : vector<16xi32> to vector<16xi32>
    tpu.vector_store %arg6[%swap3A_146], %swap3A_149 {strides = array<i32>} : memref<512xi32, #tpu.memory_space<vmem>>, vector<16xi32>,
    %get3A_150 = arith.constant 240 : index
    %get3A_151 = tpu.vector_load %arg5[%get3A_150] {strides = array<i32>} : memref<512xi32, #tpu.memory_space<vmem>>, vector<16xi32>,
    %get3A_152 = vector.shape_cast %get3A_151 : vector<16xi32> to vector<16xi32>
    %shift_right_logical3A_153 = arith.constant 3 : i32
    %shift_right_logical3A_154 = vector.broadcast %shift_right_logical3A_153 : i32 to vector<16xi32>
    %shift_right_logical3A_155 = arith.shrui %get3A_152, %shift_right_logical3A_154 : vector<16xi32>
    %swap3A_156 = arith.constant 240 : index
    %swap3A_157 = tpu.vector_load %arg6[%swap3A_156] {strides = array<i32>} : memref<512xi32, #tpu.memory_space<vmem>>, vector<16xi32>,
    %swap3A_158 = vector.shape_cast %swap3A_157 : vector<16xi32> to vector<16xi32>
    %swap3A_159 = vector.shape_cast %shift_right_logical3A_155 : vector<16xi32> to vector<16xi32>
    tpu.vector_store %arg6[%swap3A_156], %swap3A_159 {strides = array<i32>} : memref<512xi32, #tpu.memory_space<vmem>>, vector<16xi32>,
    %get3A_160 = arith.constant 256 : index
    %get3A_161 = tpu.vector_load %arg5[%get3A_160] {strides = array<i32>} : memref<512xi32, #tpu.memory_space<vmem>>, vector<16xi32>,
    %get3A_162 = vector.shape_cast %get3A_161 : vector<16xi32> to vector<16xi32>
    %shift_right_logical3A_163 = arith.constant 3 : i32
    %shift_right_logical3A_164 = vector.broadcast %shift_right_logical3A_163 : i32 to vector<16xi32>
    %shift_right_logical3A_165 = arith.shrui %get3A_162, %shift_right_logical3A_164 : vector<16xi32>
    %swap3A_166 = arith.constant 256 : index
    %swap3A_167 = tpu.vector_load %arg6[%swap3A_166] {strides = array<i32>} : memref<512xi32, #tpu.memory_space<vmem>>, vector<16xi32>,
    %swap3A_168 = vector.shape_cast %swap3A_167 : vector<16xi32> to vector<16xi32>
    %swap3A_169 = vector.shape_cast %shift_right_logical3A_165 : vector<16xi32> to vector<16xi32>
    tpu.vector_store %arg6[%swap3A_166], %swap3A_169 {strides = array<i32>} : memref<512xi32, #tpu.memory_space<vmem>>, vector<16xi32>,
    %get3A_170 = arith.constant 272 : index
    %get3A_171 = tpu.vector_load %arg5[%get3A_170] {strides = array<i32>} : memref<512xi32, #tpu.memory_space<vmem>>, vector<16xi32>,
    %get3A_172 = vector.shape_cast %get3A_171 : vector<16xi32> to vector<16xi32>
    %shift_right_logical3A_173 = arith.constant 3 : i32
    %shift_right_logical3A_174 = vector.broadcast %shift_right_logical3A_173 : i32 to vector<16xi32>
    %shift_right_logical3A_175 = arith.shrui %get3A_172, %shift_right_logical3A_174 : vector<16xi32>
    %swap3A_176 = arith.constant 272 : index
    %swap3A_177 = tpu.vector_load %arg6[%swap3A_176] {strides = array<i32>} : memref<512xi32, #tpu.memory_space<vmem>>, vector<16xi32>,
    %swap3A_178 = vector.shape_cast %swap3A_177 : vector<16xi32> to vector<16xi32>
    %swap3A_179 = vector.shape_cast %shift_right_logical3A_175 : vector<16xi32> to vector<16xi32>
    tpu.vector_store %arg6[%swap3A_176], %swap3A_179 {strides = array<i32>} : memref<512xi32, #tpu.memory_space<vmem>>, vector<16xi32>,
    %get3A_180 = arith.constant 288 : index
    %get3A_181 = tpu.vector_load %arg5[%get3A_180] {strides = array<i32>} : memref<512xi32, #tpu.memory_space<vmem>>, vector<16xi32>,
    %get3A_182 = vector.shape_cast %get3A_181 : vector<16xi32> to vector<16xi32>
    %shift_right_logical3A_183 = arith.constant 3 : i32
    %shift_right_logical3A_184 = vector.broadcast %shift_right_logical3A_183 : i32 to vector<16xi32>
    %shift_right_logical3A_185 = arith.shrui %get3A_182, %shift_right_logical3A_184 : vector<16xi32>
    %swap3A_186 = arith.constant 288 : index
    %swap3A_187 = tpu.vector_load %arg6[%swap3A_186] {strides = array<i32>} : memref<512xi32, #tpu.memory_space<vmem>>, vector<16xi32>,
    %swap3A_188 = vector.shape_cast %swap3A_187 : vector<16xi32> to vector<16xi32>
    %swap3A_189 = vector.shape_cast %shift_right_logical3A_185 : vector<16xi32> to vector<16xi32>
    tpu.vector_store %arg6[%swap3A_186], %swap3A_189 {strides = array<i32>} : memref<512xi32, #tpu.memory_space<vmem>>, vector<16xi32>,
    %get3A_190 = arith.constant 304 : index
    %get3A_191 = tpu.vector_load %arg5[%get3A_190] {strides = array<i32>} : memref<512xi32, #tpu.memory_space<vmem>>, vector<16xi32>,
    %get3A_192 = vector.shape_cast %get3A_191 : vector<16xi32> to vector<16xi32>
    %shift_right_logical3A_193 = arith.constant 3 : i32
    %shift_right_logical3A_194 = vector.broadcast %shift_right_logical3A_193 : i32 to vector<16xi32>
    %shift_right_logical3A_195 = arith.shrui %get3A_192, %shift_right_logical3A_194 : vector<16xi32>
    %swap3A_196 = arith.constant 304 : index
    %swap3A_197 = tpu.vector_load %arg6[%swap3A_196] {strides = array<i32>} : memref<512xi32, #tpu.memory_space<vmem>>, vector<16xi32>,
    %swap3A_198 = vector.shape_cast %swap3A_197 : vector<16xi32> to vector<16xi32>
    %swap3A_199 = vector.shape_cast %shift_right_logical3A_195 : vector<16xi32> to vector<16xi32>
    tpu.vector_store %arg6[%swap3A_196], %swap3A_199 {strides = array<i32>} : memref<512xi32, #tpu.memory_space<vmem>>, vector<16xi32>,
    %get3A_200 = arith.constant 320 : index
    %get3A_201 = tpu.vector_load %arg5[%get3A_200] {strides = array<i32>} : memref<512xi32, #tpu.memory_space<vmem>>, vector<16xi32>,
    %get3A_202 = vector.shape_cast %get3A_201 : vector<16xi32> to vector<16xi32>
    %shift_right_logical3A_203 = arith.constant 3 : i32
    %shift_right_logical3A_204 = vector.broadcast %shift_right_logical3A_203 : i32 to vector<16xi32>
    %shift_right_logical3A_205 = arith.shrui %get3A_202, %shift_right_logical3A_204 : vector<16xi32>
    %swap3A_206 = arith.constant 320 : index
    %swap3A_207 = tpu.vector_load %arg6[%swap3A_206] {strides = array<i32>} : memref<512xi32, #tpu.memory_space<vmem>>, vector<16xi32>,
    %swap3A_208 = vector.shape_cast %swap3A_207 : vector<16xi32> to vector<16xi32>
    %swap3A_209 = vector.shape_cast %shift_right_logical3A_205 : vector<16xi32> to vector<16xi32>
    tpu.vector_store %arg6[%swap3A_206], %swap3A_209 {strides = array<i32>} : memref<512xi32, #tpu.memory_space<vmem>>, vector<16xi32>,
    %get3A_210 = arith.constant 336 : index
    %get3A_211 = tpu.vector_load %arg5[%get3A_210] {strides = array<i32>} : memref<512xi32, #tpu.memory_space<vmem>>, vector<16xi32>,
    %get3A_212 = vector.shape_cast %get3A_211 : vector<16xi32> to vector<16xi32>
    %shift_right_logical3A_213 = arith.constant 3 : i32
    %shift_right_logical3A_214 = vector.broadcast %shift_right_logical3A_213 : i32 to vector<16xi32>
    %shift_right_logical3A_215 = arith.shrui %get3A_212, %shift_right_logical3A_214 : vector<16xi32>
    %swap3A_216 = arith.constant 336 : index
    %swap3A_217 = tpu.vector_load %arg6[%swap3A_216] {strides = array<i32>} : memref<512xi32, #tpu.memory_space<vmem>>, vector<16xi32>,
    %swap3A_218 = vector.shape_cast %swap3A_217 : vector<16xi32> to vector<16xi32>
    %swap3A_219 = vector.shape_cast %shift_right_logical3A_215 : vector<16xi32> to vector<16xi32>
    tpu.vector_store %arg6[%swap3A_216], %swap3A_219 {strides = array<i32>} : memref<512xi32, #tpu.memory_space<vmem>>, vector<16xi32>,
    %get3A_220 = arith.constant 352 : index
    %get3A_221 = tpu.vector_load %arg5[%get3A_220] {strides = array<i32>} : memref<512xi32, #tpu.memory_space<vmem>>, vector<16xi32>,
    %get3A_222 = vector.shape_cast %get3A_221 : vector<16xi32> to vector<16xi32>
    %shift_right_logical3A_223 = arith.constant 3 : i32
    %shift_right_logical3A_224 = vector.broadcast %shift_right_logical3A_223 : i32 to vector<16xi32>
    %shift_right_logical3A_225 = arith.shrui %get3A_222, %shift_right_logical3A_224 : vector<16xi32>
    %swap3A_226 = arith.constant 352 : index
    %swap3A_227 = tpu.vector_load %arg6[%swap3A_226] {strides = array<i32>} : memref<512xi32, #tpu.memory_space<vmem>>, vector<16xi32>,
    %swap3A_228 = vector.shape_cast %swap3A_227 : vector<16xi32> to vector<16xi32>
    %swap3A_229 = vector.shape_cast %shift_right_logical3A_225 : vector<16xi32> to vector<16xi32>
    tpu.vector_store %arg6[%swap3A_226], %swap3A_229 {strides = array<i32>} : memref<512xi32, #tpu.memory_space<vmem>>, vector<16xi32>,
    %get3A_230 = arith.constant 368 : index
    %get3A_231 = tpu.vector_load %arg5[%get3A_230] {strides = array<i32>} : memref<512xi32, #tpu.memory_space<vmem>>, vector<16xi32>,
    %get3A_232 = vector.shape_cast %get3A_231 : vector<16xi32> to vector<16xi32>
    %shift_right_logical3A_233 = arith.constant 3 : i32
    %shift_right_logical3A_234 = vector.broadcast %shift_right_logical3A_233 : i32 to vector<16xi32>
    %shift_right_logical3A_235 = arith.shrui %get3A_232, %shift_right_logical3A_234 : vector<16xi32>
    %swap3A_236 = arith.constant 368 : index
    %swap3A_237 = tpu.vector_load %arg6[%swap3A_236] {strides = array<i32>} : memref<512xi32, #tpu.memory_space<vmem>>, vector<16xi32>,
    %swap3A_238 = vector.shape_cast %swap3A_237 : vector<16xi32> to vector<16xi32>
    %swap3A_239 = vector.shape_cast %shift_right_logical3A_235 : vector<16xi32> to vector<16xi32>
    tpu.vector_store %arg6[%swap3A_236], %swap3A_239 {strides = array<i32>} : memref<512xi32, #tpu.memory_space<vmem>>, vector<16xi32>,
    %get3A_240 = arith.constant 384 : index
    %get3A_241 = tpu.vector_load %arg5[%get3A_240] {strides = array<i32>} : memref<512xi32, #tpu.memory_space<vmem>>, vector<16xi32>,
    %get3A_242 = vector.shape_cast %get3A_241 : vector<16xi32> to vector<16xi32>
    %shift_right_logical3A_243 = arith.constant 3 : i32
    %shift_right_logical3A_244 = vector.broadcast %shift_right_logical3A_243 : i32 to vector<16xi32>
    %shift_right_logical3A_245 = arith.shrui %get3A_242, %shift_right_logical3A_244 : vector<16xi32>
    %swap3A_246 = arith.constant 384 : index
    %swap3A_247 = tpu.vector_load %arg6[%swap3A_246] {strides = array<i32>} : memref<512xi32, #tpu.memory_space<vmem>>, vector<16xi32>,
    %swap3A_248 = vector.shape_cast %swap3A_247 : vector<16xi32> to vector<16xi32>
    %swap3A_249 = vector.shape_cast %shift_right_logical3A_245 : vector<16xi32> to vector<16xi32>
    tpu.vector_store %arg6[%swap3A_246], %swap3A_249 {strides = array<i32>} : memref<512xi32, #tpu.memory_space<vmem>>, vector<16xi32>,
    %get3A_250 = arith.constant 400 : index
    %get3A_251 = tpu.vector_load %arg5[%get3A_250] {strides = array<i32>} : memref<512xi32, #tpu.memory_space<vmem>>, vector<16xi32>,
    %get3A_252 = vector.shape_cast %get3A_251 : vector<16xi32> to vector<16xi32>
    %shift_right_logical3A_253 = arith.constant 3 : i32
    %shift_right_logical3A_254 = vector.broadcast %shift_right_logical3A_253 : i32 to vector<16xi32>
    %shift_right_logical3A_255 = arith.shrui %get3A_252, %shift_right_logical3A_254 : vector<16xi32>
    %swap3A_256 = arith.constant 400 : index
    %swap3A_257 = tpu.vector_load %arg6[%swap3A_256] {strides = array<i32>} : memref<512xi32, #tpu.memory_space<vmem>>, vector<16xi32>,
    %swap3A_258 = vector.shape_cast %swap3A_257 : vector<16xi32> to vector<16xi32>
    %swap3A_259 = vector.shape_cast %shift_right_logical3A_255 : vector<16xi32> to vector<16xi32>
    tpu.vector_store %arg6[%swap3A_256], %swap3A_259 {strides = array<i32>} : memref<512xi32, #tpu.memory_space<vmem>>, vector<16xi32>,
    %get3A_260 = arith.constant 416 : index
    %get3A_261 = tpu.vector_load %arg5[%get3A_260] {strides = array<i32>} : memref<512xi32, #tpu.memory_space<vmem>>, vector<16xi32>,
    %get3A_262 = vector.shape_cast %get3A_261 : vector<16xi32> to vector<16xi32>
    %shift_right_logical3A_263 = arith.constant 3 : i32
    %shift_right_logical3A_264 = vector.broadcast %shift_right_logical3A_263 : i32 to vector<16xi32>
    %shift_right_logical3A_265 = arith.shrui %get3A_262, %shift_right_logical3A_264 : vector<16xi32>
    %swap3A_266 = arith.constant 416 : index
    %swap3A_267 = tpu.vector_load %arg6[%swap3A_266] {strides = array<i32>} : memref<512xi32, #tpu.memory_space<vmem>>, vector<16xi32>,
    %swap3A_268 = vector.shape_cast %swap3A_267 : vector<16xi32> to vector<16xi32>
    %swap3A_269 = vector.shape_cast %shift_right_logical3A_265 : vector<16xi32> to vector<16xi32>
    tpu.vector_store %arg6[%swap3A_266], %swap3A_269 {strides = array<i32>} : memref<512xi32, #tpu.memory_space<vmem>>, vector<16xi32>,
    %get3A_270 = arith.constant 432 : index
    %get3A_271 = tpu.vector_load %arg5[%get3A_270] {strides = array<i32>} : memref<512xi32, #tpu.memory_space<vmem>>, vector<16xi32>,
    %get3A_272 = vector.shape_cast %get3A_271 : vector<16xi32> to vector<16xi32>
    %shift_right_logical3A_273 = arith.constant 3 : i32
    %shift_right_logical3A_274 = vector.broadcast %shift_right_logical3A_273 : i32 to vector<16xi32>
    %shift_right_logical3A_275 = arith.shrui %get3A_272, %shift_right_logical3A_274 : vector<16xi32>
    %swap3A_276 = arith.constant 432 : index
    %swap3A_277 = tpu.vector_load %arg6[%swap3A_276] {strides = array<i32>} : memref<512xi32, #tpu.memory_space<vmem>>, vector<16xi32>,
    %swap3A_278 = vector.shape_cast %swap3A_277 : vector<16xi32> to vector<16xi32>
    %swap3A_279 = vector.shape_cast %shift_right_logical3A_275 : vector<16xi32> to vector<16xi32>
    tpu.vector_store %arg6[%swap3A_276], %swap3A_279 {strides = array<i32>} : memref<512xi32, #tpu.memory_space<vmem>>, vector<16xi32>,
    %get3A_280 = arith.constant 448 : index
    %get3A_281 = tpu.vector_load %arg5[%get3A_280] {strides = array<i32>} : memref<512xi32, #tpu.memory_space<vmem>>, vector<16xi32>,
    %get3A_282 = vector.shape_cast %get3A_281 : vector<16xi32> to vector<16xi32>
    %shift_right_logical3A_283 = arith.constant 3 : i32
    %shift_right_logical3A_284 = vector.broadcast %shift_right_logical3A_283 : i32 to vector<16xi32>
    %shift_right_logical3A_285 = arith.shrui %get3A_282, %shift_right_logical3A_284 : vector<16xi32>
    %swap3A_286 = arith.constant 448 : index
    %swap3A_287 = tpu.vector_load %arg6[%swap3A_286] {strides = array<i32>} : memref<512xi32, #tpu.memory_space<vmem>>, vector<16xi32>,
    %swap3A_288 = vector.shape_cast %swap3A_287 : vector<16xi32> to vector<16xi32>
    %swap3A_289 = vector.shape_cast %shift_right_logical3A_285 : vector<16xi32> to vector<16xi32>
    tpu.vector_store %arg6[%swap3A_286], %swap3A_289 {strides = array<i32>} : memref<512xi32, #tpu.memory_space<vmem>>, vector<16xi32>,
    %get3A_290 = arith.constant 464 : index
    %get3A_291 = tpu.vector_load %arg5[%get3A_290] {strides = array<i32>} : memref<512xi32, #tpu.memory_space<vmem>>, vector<16xi32>,
    %get3A_292 = vector.shape_cast %get3A_291 : vector<16xi32> to vector<16xi32>
    %shift_right_logical3A_293 = arith.constant 3 : i32
    %shift_right_logical3A_294 = vector.broadcast %shift_right_logical3A_293 : i32 to vector<16xi32>
    %shift_right_logical3A_295 = arith.shrui %get3A_292, %shift_right_logical3A_294 : vector<16xi32>
    %swap3A_296 = arith.constant 464 : index
    %swap3A_297 = tpu.vector_load %arg6[%swap3A_296] {strides = array<i32>} : memref<512xi32, #tpu.memory_space<vmem>>, vector<16xi32>,
    %swap3A_298 = vector.shape_cast %swap3A_297 : vector<16xi32> to vector<16xi32>
    %swap3A_299 = vector.shape_cast %shift_right_logical3A_295 : vector<16xi32> to vector<16xi32>
    tpu.vector_store %arg6[%swap3A_296], %swap3A_299 {strides = array<i32>} : memref<512xi32, #tpu.memory_space<vmem>>, vector<16xi32>,
    %get3A_300 = arith.constant 480 : index
    %get3A_301 = tpu.vector_load %arg5[%get3A_300] {strides = array<i32>} : memref<512xi32, #tpu.memory_space<vmem>>, vector<16xi32>,
    %get3A_302 = vector.shape_cast %get3A_301 : vector<16xi32> to vector<16xi32>
    %shift_right_logical3A_303 = arith.constant 3 : i32
    %shift_right_logical3A_304 = vector.broadcast %shift_right_logical3A_303 : i32 to vector<16xi32>
    %shift_right_logical3A_305 = arith.shrui %get3A_302, %shift_right_logical3A_304 : vector<16xi32>
    %swap3A_306 = arith.constant 480 : index
    %swap3A_307 = tpu.vector_load %arg6[%swap3A_306] {strides = array<i32>} : memref<512xi32, #tpu.memory_space<vmem>>, vector<16xi32>,
    %swap3A_308 = vector.shape_cast %swap3A_307 : vector<16xi32> to vector<16xi32>
    %swap3A_309 = vector.shape_cast %shift_right_logical3A_305 : vector<16xi32> to vector<16xi32>
    tpu.vector_store %arg6[%swap3A_306], %swap3A_309 {strides = array<i32>} : memref<512xi32, #tpu.memory_space<vmem>>, vector<16xi32>,
    %get3A_310 = arith.constant 496 : index
    %get3A_311 = tpu.vector_load %arg5[%get3A_310] {strides = array<i32>} : memref<512xi32, #tpu.memory_space<vmem>>, vector<16xi32>,
    %get3A_312 = vector.shape_cast %get3A_311 : vector<16xi32> to vector<16xi32>
    %shift_right_logical3A_313 = arith.constant 3 : i32
    %shift_right_logical3A_314 = vector.broadcast %shift_right_logical3A_313 : i32 to vector<16xi32>
    %shift_right_logical3A_315 = arith.shrui %get3A_312, %shift_right_logical3A_314 : vector<16xi32>
    %swap3A_316 = arith.constant 496 : index
    %swap3A_317 = tpu.vector_load %arg6[%swap3A_316] {strides = array<i32>} : memref<512xi32, #tpu.memory_space<vmem>>, vector<16xi32>,
    %swap3A_318 = vector.shape_cast %swap3A_317 : vector<16xi32> to vector<16xi32>
    %swap3A_319 = vector.shape_cast %shift_right_logical3A_315 : vector<16xi32> to vector<16xi32>
    tpu.vector_store %arg6[%swap3A_316], %swap3A_319 {strides = array<i32>} : memref<512xi32, #tpu.memory_space<vmem>>, vector<16xi32>,
    %dma_start3A = arith.constant 0 : i32
    %dma_start3A_320 = tpu.memref_slice %arg6[%dma_start3A] : memref<512xi32, #tpu.memory_space<vmem>> -> memref<256xi32, #tpu.memory_space<vmem>>
    %dma_start3A_321 = arith.constant 0 : i32
    %dma_start3A_322 = arith.constant 0 : i32
    %dma_start3A_323 = tpu.memref_slice %arg3[%dma_start3A_321, %dma_start3A_322] : memref<125000x128xf32, #tpu.memory_space<hbm>> -> memref<125000x128xf32, #tpu.memory_space<hbm>>
    tpu.enqueue_indirect_dma source(%dma_start3A_323 : memref<125000x128xf32, #tpu.memory_space<hbm>>) target(%arg7 : memref<256x128xf32, #tpu.memory_space<vmem>>) offsets(%dma_start3A_320 : memref<256xi32, #tpu.memory_space<vmem>>) semaphore(%arg9 : memref<!tpu.dma_semaphore, #tpu.memory_space<semaphore_mem>>)
    %dma_start3A_324 = arith.constant 256 : i32
    %dma_start3A_325 = tpu.memref_slice %arg6[%dma_start3A_324] : memref<512xi32, #tpu.memory_space<vmem>> -> memref<256xi32, #tpu.memory_space<vmem>>
    %dma_start3A_326 = arith.constant 0 : i32
    %dma_start3A_327 = arith.constant 0 : i32
    %dma_start3A_328 = tpu.memref_slice %arg3[%dma_start3A_326, %dma_start3A_327] : memref<125000x128xf32, #tpu.memory_space<hbm>> -> memref<125000x128xf32, #tpu.memory_space<hbm>>
    tpu.enqueue_indirect_dma source(%dma_start3A_328 : memref<125000x128xf32, #tpu.memory_space<hbm>>) target(%arg8 : memref<256x128xf32, #tpu.memory_space<vmem>>) offsets(%dma_start3A_325 : memref<256xi32, #tpu.memory_space<vmem>>) semaphore(%arg10 : memref<!tpu.dma_semaphore, #tpu.memory_space<semaphore_mem>>)
    %dma_wait3A = arith.constant 0 : i32
    %dma_wait3A_329 = tpu.memref_slice %arg6[%dma_wait3A] : memref<512xi32, #tpu.memory_space<vmem>> -> memref<256xi32, #tpu.memory_space<vmem>>
    %dma_wait3A_330 = arith.constant 0 : i32
    %dma_wait3A_331 = arith.constant 0 : i32
    %dma_wait3A_332 = tpu.memref_slice %arg3[%dma_wait3A_330, %dma_wait3A_331] : memref<125000x128xf32, #tpu.memory_space<hbm>> -> memref<125000x128xf32, #tpu.memory_space<hbm>>
    tpu.wait_indirect_dma semaphore(%arg9 : memref<!tpu.dma_semaphore, #tpu.memory_space<semaphore_mem>>) src(%dma_wait3A_332 : memref<125000x128xf32, #tpu.memory_space<hbm>>) dst(%arg7 : memref<256x128xf32, #tpu.memory_space<vmem>>)
    "tpu.region"() ({
      %run_scoped3A = tpu.sem_alloc : memref<!tpu.dma_semaphore, #tpu.memory_space<semaphore_mem>>
      %dma_start3A_340 = arith.constant 0 : i32
      %dma_start3A_341 = tpu.memref_slice %arg4[%mul3A_2, %dma_start3A_340] : memref<16384x128xf32, #tpu.memory_space<hbm>> -> memref<256x128xf32, #tpu.memory_space<hbm>>
      %dma_start3A_342 = arith.constant 0 : i32
      %dma_start3A_343 = tpu.memref_slice %arg4[%mul3A_2, %dma_start3A_342] : memref<16384x128xf32, #tpu.memory_space<hbm>> -> memref<256x128xf32, #tpu.memory_space<hbm>>
      tpu.enqueue_dma source(%arg7 : memref<256x128xf32, #tpu.memory_space<vmem>>) target(%dma_start3A_343 : memref<256x128xf32, #tpu.memory_space<hbm>>) target_semaphore(%run_scoped3A : memref<!tpu.dma_semaphore, #tpu.memory_space<semaphore_mem>>)
      %dma_wait3A_344 = arith.constant 0 : i32
      %dma_wait3A_345 = tpu.memref_slice %arg4[%mul3A_2, %dma_wait3A_344] : memref<16384x128xf32, #tpu.memory_space<hbm>> -> memref<256x128xf32, #tpu.memory_space<hbm>>
      %dma_wait3A_346 = arith.constant 0 : i32
      %dma_wait3A_347 = tpu.memref_slice %arg4[%mul3A_2, %dma_wait3A_346] : memref<16384x128xf32, #tpu.memory_space<hbm>> -> memref<256x128xf32, #tpu.memory_space<hbm>>
      tpu.wait_dma2 semaphore(%run_scoped3A : memref<!tpu.dma_semaphore, #tpu.memory_space<semaphore_mem>>) src(%arg7 : memref<256x128xf32, #tpu.memory_space<vmem>>) dst(%dma_wait3A_347 : memref<256x128xf32, #tpu.memory_space<hbm>>)
      tpu.yield
    }) : () -> ()
    %dma_wait3A_333 = arith.constant 256 : i32
    %dma_wait3A_334 = tpu.memref_slice %arg6[%dma_wait3A_333] : memref<512xi32, #tpu.memory_space<vmem>> -> memref<256xi32, #tpu.memory_space<vmem>>
    %dma_wait3A_335 = arith.constant 0 : i32
    %dma_wait3A_336 = arith.constant 0 : i32
    %dma_wait3A_337 = tpu.memref_slice %arg3[%dma_wait3A_335, %dma_wait3A_336] : memref<125000x128xf32, #tpu.memory_space<hbm>> -> memref<125000x128xf32, #tpu.memory_space<hbm>>
    tpu.wait_indirect_dma semaphore(%arg10 : memref<!tpu.dma_semaphore, #tpu.memory_space<semaphore_mem>>) src(%dma_wait3A_337 : memref<125000x128xf32, #tpu.memory_space<hbm>>) dst(%arg8 : memref<256x128xf32, #tpu.memory_space<vmem>>)
    %add3A_338 = arith.constant 256 : i32
    %add3A_339 = arith.addi %mul3A_2, %add3A_338 : i32
    "tpu.region"() ({
      %run_scoped3A = tpu.sem_alloc : memref<!tpu.dma_semaphore, #tpu.memory_space<semaphore_mem>>
      %dma_start3A_340 = arith.constant 0 : i32
      %dma_start3A_341 = tpu.memref_slice %arg4[%add3A_339, %dma_start3A_340] : memref<16384x128xf32, #tpu.memory_space<hbm>> -> memref<256x128xf32, #tpu.memory_space<hbm>>
      %dma_start3A_342 = arith.constant 0 : i32
      %dma_start3A_343 = tpu.memref_slice %arg4[%add3A_339, %dma_start3A_342] : memref<16384x128xf32, #tpu.memory_space<hbm>> -> memref<256x128xf32, #tpu.memory_space<hbm>>
      tpu.enqueue_dma source(%arg8 : memref<256x128xf32, #tpu.memory_space<vmem>>) target(%dma_start3A_343 : memref<256x128xf32, #tpu.memory_space<hbm>>) target_semaphore(%run_scoped3A : memref<!tpu.dma_semaphore, #tpu.memory_space<semaphore_mem>>)
      %dma_wait3A_344 = arith.constant 0 : i32
      %dma_wait3A_345 = tpu.memref_slice %arg4[%add3A_339, %dma_wait3A_344] : memref<16384x128xf32, #tpu.memory_space<hbm>> -> memref<256x128xf32, #tpu.memory_space<hbm>>
      %dma_wait3A_346 = arith.constant 0 : i32
      %dma_wait3A_347 = tpu.memref_slice %arg4[%add3A_339, %dma_wait3A_346] : memref<16384x128xf32, #tpu.memory_space<hbm>> -> memref<256x128xf32, #tpu.memory_space<hbm>>
      tpu.wait_dma2 semaphore(%run_scoped3A : memref<!tpu.dma_semaphore, #tpu.memory_space<semaphore_mem>>) src(%arg8 : memref<256x128xf32, #tpu.memory_space<vmem>>) dst(%dma_wait3A_347 : memref<256x128xf32, #tpu.memory_space<hbm>>)
      tpu.yield
    }) : () -> ()
    return
  }
}

module attributes {stable_mosaic.version = 14 : i64} {
  func.func @body(%arg0: i32, %arg1: memref<16x32768xf32, #tpu.memory_space<vmem>>, %arg2: memref<4096x128xf32, #tpu.memory_space<vmem>>) attributes {dimension_semantics = [#tpu.dimension_semantics<arbitrary>], iteration_bounds = array<i64: 31>, scalar_prefetch = 0 : i64, scratch_operands = 0 : i64, tpu.core_type = #tpu.core_type<tc>, window_params = [{transform_indices = @transform_0, window_bounds = array<i64: 16, 32768>}, {transform_indices = @transform_1, window_bounds = array<i64: 4096, 128>}]} {
    %get3A = arith.constant 0 : index
    %get3A_0 = arith.constant 0 : index
    %get3A_1 = vector.load %arg1[%get3A, %get3A_0] : memref<16x32768xf32, #tpu.memory_space<vmem>>, vector<16x32768xf32>
    %transpose3A = tpu.transpose %get3A_1, [1, 0] : vector<16x32768xf32> -> vector<32768x16xf32>
    %reshape3A = vector.shape_cast %transpose3A : vector<32768x16xf32> to vector<4096x8x16xf32>
    %slice3A = vector.extract_strided_slice %reshape3A {offsets = [0, 0, 0], sizes = [4096, 1, 16], strides = [1, 1, 1]} : vector<4096x8x16xf32> to vector<4096x1x16xf32>
    %squeeze3A = vector.shape_cast %slice3A : vector<4096x1x16xf32> to vector<4096x16xf32>
    %swap3A = arith.constant 0 : index
    %swap3A_2 = arith.constant 0 : index
    %swap3A_3 = vector.load %arg2[%swap3A, %swap3A_2] : memref<4096x128xf32, #tpu.memory_space<vmem>>, vector<4096x16xf32>
    tpu.vector_store %arg2[%swap3A, %swap3A_2], %squeeze3A {strides = array<i32>} : memref<4096x128xf32, #tpu.memory_space<vmem>>, vector<4096x16xf32>,
    %slice3A_4 = vector.extract_strided_slice %reshape3A {offsets = [0, 1, 0], sizes = [4096, 1, 16], strides = [1, 1, 1]} : vector<4096x8x16xf32> to vector<4096x1x16xf32>
    %squeeze3A_5 = vector.shape_cast %slice3A_4 : vector<4096x1x16xf32> to vector<4096x16xf32>
    %swap3A_6 = arith.constant 0 : index
    %swap3A_7 = arith.constant 16 : index
    %swap3A_8 = vector.load %arg2[%swap3A_6, %swap3A_7] : memref<4096x128xf32, #tpu.memory_space<vmem>>, vector<4096x16xf32>
    tpu.vector_store %arg2[%swap3A_6, %swap3A_7], %squeeze3A_5 {strides = array<i32>} : memref<4096x128xf32, #tpu.memory_space<vmem>>, vector<4096x16xf32>,
    %slice3A_9 = vector.extract_strided_slice %reshape3A {offsets = [0, 2, 0], sizes = [4096, 1, 16], strides = [1, 1, 1]} : vector<4096x8x16xf32> to vector<4096x1x16xf32>
    %squeeze3A_10 = vector.shape_cast %slice3A_9 : vector<4096x1x16xf32> to vector<4096x16xf32>
    %swap3A_11 = arith.constant 0 : index
    %swap3A_12 = arith.constant 32 : index
    %swap3A_13 = vector.load %arg2[%swap3A_11, %swap3A_12] : memref<4096x128xf32, #tpu.memory_space<vmem>>, vector<4096x16xf32>
    tpu.vector_store %arg2[%swap3A_11, %swap3A_12], %squeeze3A_10 {strides = array<i32>} : memref<4096x128xf32, #tpu.memory_space<vmem>>, vector<4096x16xf32>,
    %slice3A_14 = vector.extract_strided_slice %reshape3A {offsets = [0, 3, 0], sizes = [4096, 1, 16], strides = [1, 1, 1]} : vector<4096x8x16xf32> to vector<4096x1x16xf32>
    %squeeze3A_15 = vector.shape_cast %slice3A_14 : vector<4096x1x16xf32> to vector<4096x16xf32>
    %swap3A_16 = arith.constant 0 : index
    %swap3A_17 = arith.constant 48 : index
    %swap3A_18 = vector.load %arg2[%swap3A_16, %swap3A_17] : memref<4096x128xf32, #tpu.memory_space<vmem>>, vector<4096x16xf32>
    tpu.vector_store %arg2[%swap3A_16, %swap3A_17], %squeeze3A_15 {strides = array<i32>} : memref<4096x128xf32, #tpu.memory_space<vmem>>, vector<4096x16xf32>,
    %slice3A_19 = vector.extract_strided_slice %reshape3A {offsets = [0, 4, 0], sizes = [4096, 1, 16], strides = [1, 1, 1]} : vector<4096x8x16xf32> to vector<4096x1x16xf32>
    %squeeze3A_20 = vector.shape_cast %slice3A_19 : vector<4096x1x16xf32> to vector<4096x16xf32>
    %swap3A_21 = arith.constant 0 : index
    %swap3A_22 = arith.constant 64 : index
    %swap3A_23 = vector.load %arg2[%swap3A_21, %swap3A_22] : memref<4096x128xf32, #tpu.memory_space<vmem>>, vector<4096x16xf32>
    tpu.vector_store %arg2[%swap3A_21, %swap3A_22], %squeeze3A_20 {strides = array<i32>} : memref<4096x128xf32, #tpu.memory_space<vmem>>, vector<4096x16xf32>,
    %slice3A_24 = vector.extract_strided_slice %reshape3A {offsets = [0, 5, 0], sizes = [4096, 1, 16], strides = [1, 1, 1]} : vector<4096x8x16xf32> to vector<4096x1x16xf32>
    %squeeze3A_25 = vector.shape_cast %slice3A_24 : vector<4096x1x16xf32> to vector<4096x16xf32>
    %swap3A_26 = arith.constant 0 : index
    %swap3A_27 = arith.constant 80 : index
    %swap3A_28 = vector.load %arg2[%swap3A_26, %swap3A_27] : memref<4096x128xf32, #tpu.memory_space<vmem>>, vector<4096x16xf32>
    tpu.vector_store %arg2[%swap3A_26, %swap3A_27], %squeeze3A_25 {strides = array<i32>} : memref<4096x128xf32, #tpu.memory_space<vmem>>, vector<4096x16xf32>,
    %slice3A_29 = vector.extract_strided_slice %reshape3A {offsets = [0, 6, 0], sizes = [4096, 1, 16], strides = [1, 1, 1]} : vector<4096x8x16xf32> to vector<4096x1x16xf32>
    %squeeze3A_30 = vector.shape_cast %slice3A_29 : vector<4096x1x16xf32> to vector<4096x16xf32>
    %swap3A_31 = arith.constant 0 : index
    %swap3A_32 = arith.constant 96 : index
    %swap3A_33 = vector.load %arg2[%swap3A_31, %swap3A_32] : memref<4096x128xf32, #tpu.memory_space<vmem>>, vector<4096x16xf32>
    tpu.vector_store %arg2[%swap3A_31, %swap3A_32], %squeeze3A_30 {strides = array<i32>} : memref<4096x128xf32, #tpu.memory_space<vmem>>, vector<4096x16xf32>,
    %slice3A_34 = vector.extract_strided_slice %reshape3A {offsets = [0, 7, 0], sizes = [4096, 1, 16], strides = [1, 1, 1]} : vector<4096x8x16xf32> to vector<4096x1x16xf32>
    %squeeze3A_35 = vector.shape_cast %slice3A_34 : vector<4096x1x16xf32> to vector<4096x16xf32>
    %swap3A_36 = arith.constant 0 : index
    %swap3A_37 = arith.constant 112 : index
    %swap3A_38 = vector.load %arg2[%swap3A_36, %swap3A_37] : memref<4096x128xf32, #tpu.memory_space<vmem>>, vector<4096x16xf32>
    tpu.vector_store %arg2[%swap3A_36, %swap3A_37], %squeeze3A_35 {strides = array<i32>} : memref<4096x128xf32, #tpu.memory_space<vmem>>, vector<4096x16xf32>,
    return
  }
  func.func @transform_0(%arg0: i32) -> (i32, i32) {
    %c0_i32 = arith.constant 0 : i32
    %c0_i32_0 = arith.constant 0 : i32
    return %c0_i32, %arg0 : i32, i32
  }
  func.func @transform_1(%arg0: i32) -> (i32, i32) {
    %c0_i32 = arith.constant 0 : i32
    %c0_i32_0 = arith.constant 0 : i32
    return %arg0, %c0_i32 : i32, i32
  }
}

module attributes {stable_mosaic.version = 14 : i64} {
  func.func @body(%arg0: i32, %arg1: memref<2048x22xi32, #tpu.memory_space<vmem>>, %arg2: memref<2048x128xf32, #tpu.memory_space<vmem>>, %arg3: memref<2048x128xf32, #tpu.memory_space<vmem>>, %arg4: memref<128x128xf32, #tpu.memory_space<vmem>>, %arg5: memref<128x128xf32, #tpu.memory_space<vmem>>, %arg6: memref<20x16xf32, #tpu.memory_space<vmem>>, %arg7: memref<1x16xf32, #tpu.memory_space<vmem>>, %arg8: memref<16x128xf32, #tpu.memory_space<vmem>>, %arg9: memref<1x128xf32, #tpu.memory_space<vmem>>, %arg10: memref<128x1xf32, #tpu.memory_space<vmem>>, %arg11: memref<1x1xf32, #tpu.memory_space<vmem>>, %arg12: memref<2048x1xf32, #tpu.memory_space<vmem>>) attributes {dimension_semantics = [#tpu.dimension_semantics<arbitrary>], iteration_bounds = array<i64: 8>, scalar_prefetch = 0 : i64, scratch_operands = 0 : i64, tpu.core_type = #tpu.core_type<tc>, window_params = [{transform_indices = @transform_0, window_bounds = array<i64: 2048, 22>}, {transform_indices = @transform_1, window_bounds = array<i64: 2048, 128>}, {transform_indices = @transform_2, window_bounds = array<i64: 2048, 128>}, {pipeline_mode = #tpu.pipeline_mode<synchronous>, transform_indices = @transform_3, window_bounds = array<i64: 128, 128>}, {pipeline_mode = #tpu.pipeline_mode<synchronous>, transform_indices = @transform_4, window_bounds = array<i64: 128, 128>}, {pipeline_mode = #tpu.pipeline_mode<synchronous>, transform_indices = @transform_5, window_bounds = array<i64: 20, 16>}, {pipeline_mode = #tpu.pipeline_mode<synchronous>, transform_indices = @transform_6, window_bounds = array<i64: 1, 16>}, {pipeline_mode = #tpu.pipeline_mode<synchronous>, transform_indices = @transform_7, window_bounds = array<i64: 16, 128>}, {pipeline_mode = #tpu.pipeline_mode<synchronous>, transform_indices = @transform_8, window_bounds = array<i64: 1, 128>}, {pipeline_mode = #tpu.pipeline_mode<synchronous>, transform_indices = @transform_9, window_bounds = array<i64: 128, 1>}, {pipeline_mode = #tpu.pipeline_mode<synchronous>, transform_indices = @transform_10, window_bounds = array<i64: 1, 1>}, {transform_indices = @transform_11, window_bounds = array<i64: 2048, 1>}]} {
    %iota3A = tpu.iota {dimensions = array<i32: 1>} : vector<2048x128xi32>
    %shift_right_logical3A = arith.constant 4 : i32
    %shift_right_logical3A_0 = vector.broadcast %shift_right_logical3A : i32 to vector<2048x128xi32>
    %shift_right_logical3A_1 = arith.shrui %iota3A, %shift_right_logical3A_0 : vector<2048x128xi32>
    %get3A = arith.constant 0 : index
    %get3A_2 = arith.constant 0 : index
    %get3A_3 = vector.load %arg1[%get3A, %get3A_2] : memref<2048x22xi32, #tpu.memory_space<vmem>>, vector<2048x1xi32>
    %and3A = arith.constant 7 : i32
    %and3A_4 = vector.broadcast %and3A : i32 to vector<2048x1xi32>
    %and3A_5 = arith.andi %get3A_3, %and3A_4 : vector<2048x1xi32>
    %get3A_6 = arith.constant 0 : index
    %get3A_7 = arith.constant 1 : index
    %get3A_8 = vector.load %arg1[%get3A_6, %get3A_7] : memref<2048x22xi32, #tpu.memory_space<vmem>>, vector<2048x1xi32>
    %and3A_9 = arith.constant 7 : i32
    %and3A_10 = vector.broadcast %and3A_9 : i32 to vector<2048x1xi32>
    %and3A_11 = arith.andi %get3A_8, %and3A_10 : vector<2048x1xi32>
    %get3A_12 = arith.constant 0 : index
    %get3A_13 = arith.constant 0 : index
    %get3A_14 = vector.load %arg2[%get3A_12, %get3A_13] : memref<2048x128xf32, #tpu.memory_space<vmem>>, vector<2048x128xf32>
    %eq3A = vector.broadcast %and3A_5 : vector<2048x1xi32> to vector<2048x128xi32>
    %eq3A_15 = arith.cmpi eq, %shift_right_logical3A_1, %eq3A : vector<2048x128xi32>
    %convert_element_type3A = arith.extui %eq3A_15 : vector<2048x128xi1> to vector<2048x128xi32>
    %convert_element_type3A_16 = arith.sitofp %convert_element_type3A : vector<2048x128xi32> to vector<2048x128xf32>
    %mul3A = arith.mulf %get3A_14, %convert_element_type3A_16 : vector<2048x128xf32>
    %get3A_17 = arith.constant 0 : index
    %get3A_18 = arith.constant 0 : index
    %get3A_19 = vector.load %arg3[%get3A_17, %get3A_18] : memref<2048x128xf32, #tpu.memory_space<vmem>>, vector<2048x128xf32>
    %eq3A_20 = vector.broadcast %and3A_11 : vector<2048x1xi32> to vector<2048x128xi32>
    %eq3A_21 = arith.cmpi eq, %shift_right_logical3A_1, %eq3A_20 : vector<2048x128xi32>
    %convert_element_type3A_22 = arith.extui %eq3A_21 : vector<2048x128xi1> to vector<2048x128xi32>
    %convert_element_type3A_23 = arith.sitofp %convert_element_type3A_22 : vector<2048x128xi32> to vector<2048x128xf32>
    %mul3A_24 = arith.mulf %get3A_19, %convert_element_type3A_23 : vector<2048x128xf32>
    %get3A_25 = arith.constant 0 : index
    %get3A_26 = arith.constant 2 : index
    %get3A_27 = vector.load %arg1[%get3A_25, %get3A_26] : memref<2048x22xi32, #tpu.memory_space<vmem>>, vector<2048x20xi32>
    %convert_element_type3A_28 = arith.sitofp %get3A_27 : vector<2048x20xi32> to vector<2048x20xf32>
    %get3A_29 = arith.constant 0 : index
    %get3A_30 = arith.constant 0 : index
    %get3A_31 = vector.load %arg6[%get3A_29, %get3A_30] : memref<20x16xf32, #tpu.memory_space<vmem>>, vector<20x16xf32>
    %dot_general3A = arith.constant dense<0.000000e+00> : vector<2048x16xf32>
    %dot_general3A_32 = tpu.matmul %convert_element_type3A_28, %get3A_31, %dot_general3A {dimension_numbers = #tpu.dot_dimension_numbers<[1], [0], [0], [1], [0, 0, 1, 1], [], []>, transpose_lhs_hint = false} : vector<2048x20xf32>, vector<20x16xf32>, vector<2048x16xf32> -> vector<2048x16xf32>
    %get3A_33 = arith.constant 0 : index
    %get3A_34 = arith.constant 0 : index
    %get3A_35 = vector.load %arg7[%get3A_33, %get3A_34] : memref<1x16xf32, #tpu.memory_space<vmem>>, vector<1x16xf32>
    %add3A = vector.broadcast %get3A_35 : vector<1x16xf32> to vector<2048x16xf32>
    %add3A_36 = arith.addf %dot_general3A_32, %add3A : vector<2048x16xf32>
    %get3A_37 = arith.constant 0 : index
    %get3A_38 = arith.constant 0 : index
    %get3A_39 = vector.load %arg4[%get3A_37, %get3A_38] : memref<128x128xf32, #tpu.memory_space<vmem>>, vector<128x128xf32>
    %dot_general3A_40 = arith.constant dense<0.000000e+00> : vector<2048x128xf32>
    %dot_general3A_41 = tpu.matmul %mul3A, %get3A_39, %dot_general3A_40 {dimension_numbers = #tpu.dot_dimension_numbers<[1], [0], [0], [1], [0, 0, 1, 1], [], []>, transpose_lhs_hint = false} : vector<2048x128xf32>, vector<128x128xf32>, vector<2048x128xf32> -> vector<2048x128xf32>
    %get3A_42 = arith.constant 0 : index
    %get3A_43 = arith.constant 0 : index
    %get3A_44 = vector.load %arg5[%get3A_42, %get3A_43] : memref<128x128xf32, #tpu.memory_space<vmem>>, vector<128x128xf32>
    %dot_general3A_45 = arith.constant dense<0.000000e+00> : vector<2048x128xf32>
    %dot_general3A_46 = tpu.matmul %mul3A_24, %get3A_44, %dot_general3A_45 {dimension_numbers = #tpu.dot_dimension_numbers<[1], [0], [0], [1], [0, 0, 1, 1], [], []>, transpose_lhs_hint = false} : vector<2048x128xf32>, vector<128x128xf32>, vector<2048x128xf32> -> vector<2048x128xf32>
    %add3A_47 = arith.addf %dot_general3A_41, %dot_general3A_46 : vector<2048x128xf32>
    %get3A_48 = arith.constant 0 : index
    %get3A_49 = arith.constant 0 : index
    %get3A_50 = vector.load %arg8[%get3A_48, %get3A_49] : memref<16x128xf32, #tpu.memory_space<vmem>>, vector<16x128xf32>
    %dot_general3A_51 = arith.constant dense<0.000000e+00> : vector<2048x128xf32>
    %dot_general3A_52 = tpu.matmul %add3A_36, %get3A_50, %dot_general3A_51 {dimension_numbers = #tpu.dot_dimension_numbers<[1], [0], [0], [1], [0, 0, 1, 1], [], []>, transpose_lhs_hint = false} : vector<2048x16xf32>, vector<16x128xf32>, vector<2048x128xf32> -> vector<2048x128xf32>
    %add3A_53 = arith.addf %add3A_47, %dot_general3A_52 : vector<2048x128xf32>
    %get3A_54 = arith.constant 0 : index
    %get3A_55 = arith.constant 0 : index
    %get3A_56 = vector.load %arg9[%get3A_54, %get3A_55] : memref<1x128xf32, #tpu.memory_space<vmem>>, vector<1x128xf32>
    %add3A_57 = vector.broadcast %get3A_56 : vector<1x128xf32> to vector<2048x128xf32>
    %add3A_58 = arith.addf %add3A_53, %add3A_57 : vector<2048x128xf32>
    %max3A = arith.constant 0.000000e+00 : f32
    %max3A_59 = vector.broadcast %max3A : f32 to vector<2048x128xf32>
    %max3A_60 = arith.maximumf %add3A_58, %max3A_59 : vector<2048x128xf32>
    %get3A_61 = arith.constant 0 : index
    %get3A_62 = arith.constant 0 : index
    %get3A_63 = vector.load %arg10[%get3A_61, %get3A_62] : memref<128x1xf32, #tpu.memory_space<vmem>>, vector<128x1xf32>
    %dot_general3A_64 = arith.constant dense<0.000000e+00> : vector<2048x1xf32>
    %dot_general3A_65 = tpu.matmul %max3A_60, %get3A_63, %dot_general3A_64 {dimension_numbers = #tpu.dot_dimension_numbers<[1], [0], [0], [1], [0, 0, 1, 1], [], []>, transpose_lhs_hint = false} : vector<2048x128xf32>, vector<128x1xf32>, vector<2048x1xf32> -> vector<2048x1xf32>
    %get3A_66 = arith.constant 0 : index
    %get3A_67 = arith.constant 0 : index
    %get3A_68 = vector.load %arg11[%get3A_66, %get3A_67] : memref<1x1xf32, #tpu.memory_space<vmem>>, vector<1x1xf32>
    %add3A_69 = vector.broadcast %get3A_68 : vector<1x1xf32> to vector<2048x1xf32>
    %add3A_70 = arith.addf %dot_general3A_65, %add3A_69 : vector<2048x1xf32>
    %logistic3A = arith.negf %add3A_70 : vector<2048x1xf32>
    %logistic3A_71 = math.exp %logistic3A : vector<2048x1xf32>
    %logistic3A_72 = arith.constant 1.000000e+00 : f32
    %logistic3A_73 = vector.broadcast %logistic3A_72 : f32 to vector<2048x1xf32>
    %logistic3A_74 = arith.addf %logistic3A_73, %logistic3A_71 : vector<2048x1xf32>
    %logistic3A_75 = arith.divf %logistic3A_73, %logistic3A_74 : vector<2048x1xf32>
    %mul3A_76 = arith.constant 4.000000e+00 : f32
    %mul3A_77 = vector.broadcast %mul3A_76 : f32 to vector<2048x1xf32>
    %mul3A_78 = arith.mulf %logistic3A_75, %mul3A_77 : vector<2048x1xf32>
    %add3A_79 = arith.constant 1.000000e+00 : f32
    %add3A_80 = vector.broadcast %add3A_79 : f32 to vector<2048x1xf32>
    %add3A_81 = arith.addf %mul3A_78, %add3A_80 : vector<2048x1xf32>
    %swap3A = arith.constant 0 : index
    %swap3A_82 = arith.constant 0 : index
    %swap3A_83 = vector.load %arg12[%swap3A, %swap3A_82] : memref<2048x1xf32, #tpu.memory_space<vmem>>, vector<2048x1xf32>
    tpu.vector_store %arg12[%swap3A, %swap3A_82], %add3A_81 {strides = array<i32>} : memref<2048x1xf32, #tpu.memory_space<vmem>>, vector<2048x1xf32>,
    return
  }
  func.func @transform_0(%arg0: i32) -> (i32, i32) {
    %c0_i32 = arith.constant 0 : i32
    %c0_i32_0 = arith.constant 0 : i32
    return %arg0, %c0_i32 : i32, i32
  }
  func.func @transform_1(%arg0: i32) -> (i32, i32) {
    %c0_i32 = arith.constant 0 : i32
    %c0_i32_0 = arith.constant 0 : i32
    return %arg0, %c0_i32 : i32, i32
  }
  func.func @transform_2(%arg0: i32) -> (i32, i32) {
    %c0_i32 = arith.constant 0 : i32
    %c0_i32_0 = arith.constant 0 : i32
    return %arg0, %c0_i32 : i32, i32
  }
  func.func @transform_3(%arg0: i32) -> (i32, i32) {
    %c0_i32 = arith.constant 0 : i32
    %c0_i32_0 = arith.constant 0 : i32
    %c0_i32_1 = arith.constant 0 : i32
    return %c0_i32, %c0_i32_0 : i32, i32
  }
  func.func @transform_4(%arg0: i32) -> (i32, i32) {
    %c0_i32 = arith.constant 0 : i32
    %c0_i32_0 = arith.constant 0 : i32
    %c0_i32_1 = arith.constant 0 : i32
    return %c0_i32, %c0_i32_0 : i32, i32
  }
  func.func @transform_5(%arg0: i32) -> (i32, i32) {
    %c0_i32 = arith.constant 0 : i32
    %c0_i32_0 = arith.constant 0 : i32
    %c0_i32_1 = arith.constant 0 : i32
    return %c0_i32, %c0_i32_0 : i32, i32
  }
  func.func @transform_6(%arg0: i32) -> (i32, i32) {
    %c0_i32 = arith.constant 0 : i32
    %c0_i32_0 = arith.constant 0 : i32
    %c0_i32_1 = arith.constant 0 : i32
    return %c0_i32, %c0_i32_0 : i32, i32
  }
  func.func @transform_7(%arg0: i32) -> (i32, i32) {
    %c0_i32 = arith.constant 0 : i32
    %c0_i32_0 = arith.constant 0 : i32
    %c0_i32_1 = arith.constant 0 : i32
    return %c0_i32, %c0_i32_0 : i32, i32
  }
  func.func @transform_8(%arg0: i32) -> (i32, i32) {
    %c0_i32 = arith.constant 0 : i32
    %c0_i32_0 = arith.constant 0 : i32
    %c0_i32_1 = arith.constant 0 : i32
    return %c0_i32, %c0_i32_0 : i32, i32
  }
  func.func @transform_9(%arg0: i32) -> (i32, i32) {
    %c0_i32 = arith.constant 0 : i32
    %c0_i32_0 = arith.constant 0 : i32
    %c0_i32_1 = arith.constant 0 : i32
    return %c0_i32, %c0_i32_0 : i32, i32
  }
  func.func @transform_10(%arg0: i32) -> (i32, i32) {
    %c0_i32 = arith.constant 0 : i32
    %c0_i32_0 = arith.constant 0 : i32
    %c0_i32_1 = arith.constant 0 : i32
    return %c0_i32, %c0_i32_0 : i32, i32
  }
  func.func @transform_11(%arg0: i32) -> (i32, i32) {
    %c0_i32 = arith.constant 0 : i32
    %c0_i32_0 = arith.constant 0 : i32
    return %arg0, %c0_i32 : i32, i32
  }
}

</mosaic_0001>

<sc_bundles>
// kernel: kernel.10.cloned.1.call-start
scs
__scs_entry_jumppad:
0x0: {  	(pc) =	sbr.rel $0x88, $3  }
0x1: {  	(tag) =	ssettag $0x0;
	lr =	simm.s32 $0x1  }
0x2: {  	[smem:$0x3F98] =	sst lr;
	_ =	strace $0xD0000000  }
0x3: {  	_ = 	snop  }
0x4: {  	_ = 	snop  }
0x5: {  	_ = 	snop  }
0x6: {  	_ = 	snop  }
0x7: {  	_ = 	snop  }
__scs_overlays_trampoline_lowered:
0x8: {  	[smem:$0x3FA7] =	sst s0  }
0x9: {  	[smem:$0x3FA8] =	sst s1  }
0xa: {  	[smem:$0x3FA9] =	sst s2  }
0xb: {  	[smem:$0x3FAA] =	sst s3  }
0xc: {  	[smem:$0x3FAB] =	sst s4  }
0xd: {  	[smem:$0x3FAC] =	sst s5  }
0xe: {  	[smem:$0x3FAD] =	sst s6  }
0xf: {  	[smem:$0x3FAE] =	sst s7  }
0x10: {  	[smem:$0x3FAF] =	sst s8  }
0x11: {  	[smem:$0x3FB0] =	sst s9;
	s0 =	simm.s32 @!p0 $0x0  }
0x12: {  	s1 =	sld [smem:$0x3F96];
	s0 =	simm.s32 @p0 $0x1  }
0x13: {  	[smem:$0x3FB1] =	sst s0;
	s0 =	simm.s32 @!p1 $0x0  }
0x14: {  	s2 =	sld [smem:$0x3F95];
	s0 =	simm.s32 @p1 $0x1  }
0x15: {  	[smem:$0x3FB2] =	sst s0;
	s0 =	simm.s32 @!p2 $0x0  }
0x16: {  	s3 =	sld [smem:$0x3FDB];
	s0 =	simm.s32 @p2 $0x1  }
0x17: {  	s4 =	simm.s32 $0x1BF5;
	[smem:$0x3FB4] =	sst s0  }
0x18: {  	s0 =	sld [smem:$0x3F97];
	_ =	swait.ge [sflag:s4], $0x0  }
0x19: {  	s7 =	sld [smem:$0x3F98]  }
0x1a: {  	s8 =	sadd.s32 $0xFFFFE003, lr  }
0x1b: {  	s9 =	sadd.s32 $0xFFFFFEF7, lr;
	s5 =	simm.s32 $0xFFFFFFFF;
	p2 =	slt.u32 s8, $0xFFFFF086  }
0x1c: {  	p1 =	slt.u32 s9, $0xF7A;
	s5 =	simm.s32 @!p2 $0x0  }
0x1d: {  	s5 =	simm.s32 @p1 $0x1;
	p0 =	seq.s32 s7, s2  }
0x1e: {  	s7 =	smul.u32 @!p0 $0xF7A, s2;
	p2 =	seq.s32 @!p0 s5, $0x0  }
0x1f: {  	s9 =	smul.u32 $0xF7A, s1;
	s8 =	simm.s32 @!p0 $0x1BF5;
	p2 =	por !p2, p0  }
0x20: {  	[sflag:s8] =	ssyncset.s32 @!p0 $0xFFFFF086;
	s6 =	sadd.s32 @!p0 s3, s7;
	s7 =	simm.s32 @!p0 $0x108  }
0x21: {  	s3 =	sadd.s32 s3, s9;
	s6 =	sadd.s32 @!p0 $0x88, s6;
	s7 =	simm.s32 @p2 $0x1082  }
0x22: {  	[simem:s7], [sflag:s8] =	dma.local @!p0 [hbm:s6], $0xF7A  }
0x23: {  	s9 =	sor.u32 $0xD0000000, s2;
	s6 =	simm.s32 $0x108;
	_ =	swait.ge @!p0 [sflag:s8], $0x0  }
0x24: {  	s3 =	sadd.s32 $0x88, s3;
	s6 =	simm.s32 @!p1 $0x1082;
	[sflag:s4] =	ssyncset.s32 $0xFFFFF086  }
0x25: {  	[simem:s6], [sflag:s4] =	dma.local [hbm:s3], $0xF7A  }
0x26: {  	[smem:$0x3F98] =	sst s1;
	(tag) =	ssettag s2;
	_ =	strace s9  }
0x27: {  	s1 =	sld [smem:$0x3FA8]  }
0x28: {  	s2 =	sld [smem:$0x3FA9]  }
0x29: {  	s4 =	sld [smem:$0x3FAB]  }
0x2a: {  	p0 =	seq.s32 s5, $0x0;
	s5 =	sld [smem:$0x3FAC]  }
0x2b: {  	s6 =	sld [smem:$0x3FAD]  }
0x2c: {  	s7 =	sld [smem:$0x3FAE]  }
0x2d: {  	s3 =	simm.s32 $0x108;
	s8 =	sld [smem:$0x3FAF]  }
0x2e: {  	s3 =	simm.s32 @!p0 $0x1082;
	s9 =	sld [smem:$0x3FB0]  }
0x2f: {  	lr =	sadd.s32 s0, s3;
	s0 =	sld [smem:$0x3FA7]  }
0x30: {  	s3 =	sld [smem:$0x3FAA]  }
0x31: {  	[smem:$0x3FB3] =	sst s10  }
0x32: {  	s10 =	sld [smem:$0x3FB1];
	_ =	sdelay $0x3  }
0x33: {  	p0 =	seq.s32 s10, $0x1;
	s10 =	sld [smem:$0x3FB3];
	_ =	sdelay $0x3  }
0x34: {  	[smem:$0x3FB3] =	sst s10  }
0x35: {  	s10 =	sld [smem:$0x3FB2];
	_ =	sdelay $0x3  }
0x36: {  	p1 =	seq.s32 s10, $0x1;
	s10 =	sld [smem:$0x3FB3];
	_ =	sdelay $0x3  }
0x37: {  	[smem:$0x3FB3] =	sst s10  }
0x38: {  	s10 =	sld [smem:$0x3FB4]  }
0x39: {  	_ = 	snop;
	(pc) =	sbr.ind lr, $3  }
0x3a: {  	_ = 	snop  }
0x3b: {  	_ = 	snop  }
0x3c: {  	p2 =	seq.s32 s10, $0x1;
	s10 =	sld [smem:$0x3FB3]  }
0x3d: {  	_ =	shalt  }
0x3e: {  	_ =	shalt  }
0x3f: {  	_ =	shalt  }
0x40: {  	_ =	shalt  }
0x41: {  	_ =	shalt  }
0x42: {  	_ =	shalt  }
0x43: {  	_ =	shalt  }
0x44: {  	_ =	shalt  }
0x45: {  	_ =	shalt  }
0x46: {  	_ =	shalt  }
0x47: {  	_ =	shalt  }
0x48: {  	_ =	shalt  }
0x49: {  	_ =	shalt  }
0x4a: {  	_ =	shalt  }
0x4b: {  	_ =	shalt  }
0x4c: {  	_ =	shalt  }
0x4d: {  	_ =	shalt  }
0x4e: {  	_ =	shalt  }
0x4f: {  	_ =	shalt  }
0x50: {  	_ =	shalt  }
0x51: {  	_ =	shalt  }
0x52: {  	_ =	shalt  }
0x53: {  	_ =	shalt  }
0x54: {  	_ =	shalt  }
0x55: {  	_ =	shalt  }
0x56: {  	_ =	shalt  }
0x57: {  	_ =	shalt  }
0x58: {  	_ =	shalt  }
0x59: {  	_ =	shalt  }
0x5a: {  	_ =	shalt  }
0x5b: {  	_ =	shalt  }
0x5c: {  	_ =	shalt  }
0x5d: {  	_ =	shalt  }
0x5e: {  	_ =	shalt  }
0x5f: {  	_ =	shalt  }
0x60: {  	_ =	shalt  }
0x61: {  	_ =	shalt  }
0x62: {  	_ =	shalt  }
0x63: {  	_ =	shalt  }
0x64: {  	_ =	shalt  }
0x65: {  	_ =	shalt  }
0x66: {  	_ =	shalt  }
0x67: {  	_ =	shalt  }
0x68: {  	_ =	shalt  }
0x69: {  	_ =	shalt  }
0x6a: {  	_ =	shalt  }
0x6b: {  	_ =	shalt  }
0x6c: {  	_ =	shalt  }
0x6d: {  	_ =	shalt  }
0x6e: {  	_ =	shalt  }
0x6f: {  	_ =	shalt  }
0x70: {  	_ =	shalt  }
0x71: {  	_ =	shalt  }
0x72: {  	_ =	shalt  }
0x73: {  	_ =	shalt  }
0x74: {  	_ =	shalt  }
0x75: {  	_ =	shalt  }
0x76: {  	_ =	shalt  }
0x77: {  	_ =	shalt  }
0x78: {  	_ =	shalt  }
0x79: {  	_ =	shalt  }
0x7a: {  	_ =	shalt  }
0x7b: {  	_ =	shalt  }
0x7c: {  	_ =	shalt  }
0x7d: {  	_ =	shalt  }
0x7e: {  	_ =	shalt  }
0x7f: {  	_ =	shalt  }
0x80: {  	_ =	shalt  }
0x81: {  	_ =	shalt  }
0x82: {  	_ =	shalt  }
0x83: {  	_ =	shalt  }
0x84: {  	_ =	shalt  }
0x85: {  	_ =	shalt  }
0x86: {  	_ =	shalt  }
0x87: {  	_ =	shalt  }
.Lfunc_end0:
.L_simem_size_0:
called_computation.1_lowered:
.L_overlay_start_0:
0x88: {  	s2 =	sld [smem:$0x3FD9]  }
0x89: {  	s3 =	sld [smem:$0x3FFE];
	_ =	sdelay $0x1  }
0x8a: {  	s1 =	srdreg.scid  }
0x8b: {  	s0 =	sand.u32 $0x1, s1  }
0x8c: {  	s17 =	sshll.u32 s0, $0xA;
	s2 =	sadd.s32 s3, s2  }
0x8d: {  	s2 =	sadd.s32 s2, s17  }
0x8e: {  	[smem:$0x3FBF] =	sst s2  }
0x8f: {  	_ = 	snop  }
0x90: {  	s2 =	sld [smem:$0x3FD0];
	(tm) =	ssettm $0x1  }
0x91: {  	s18 =	sld [smem:$0x3FFB];
	_ =	sdelay $0x3  }
0x92: {  	_ =	strace s18  }
0x93: {  	s3 =	sld [smem:$0x3FFC];
	_ =	sdelay $0x3  }
0x94: {  	_ =	strace s3  }
0x95: {  	s3 =	sld [smem:$0x3FFD];
	_ =	sdelay $0x3  }
0x96: {  	_ =	strace s3  }
0x97: {  	_ =	strace $0x8FFFFFFF  }
0x98: {  	s19 =	sld [smem:$0x3FDB];
	_ =	sdelay $0x1  }
0x99: {  	s4 =	simm.s32 $_scs_section_size  }
0x9a: {  	s5 =	simm.s32 $_size__tile_overlayer_lowered;
	s6 =	simm.s32 $_tile_overlayer_lowered  }
0x9b: {  	s22 =	simm.s32 $0x1BFF;
	s21 =	sshll.u32 s6, $0x1;
	s3 =	sadd.s32 s4, s19  }
0x9c: {  	s7 =	simm.s32 $0x0;
	s20 =	sshll.u32 s5, $0x1;
	s5 =	sadd.s32 s21, s3  }
0x9d: {  	[timem:s7], [sflag:s22] =	dma.local [hbm:s5], s20  }
0x9e: {  	_ =	swait.ge [sflag:s22], s20  }
0x9f: {  	s4 =	ssub.s32 $0x0, s20;
	[sflag:s22] =	ssyncset.done $0x0  }
0xa0: {  	[sflag:s22] =	ssyncadd.s32 s4;
	_ =	sdelay $0x1  }
0xa1: {  	s23 =	simm.s32 $0x1B8B  }
0xa2: {  	_ =	swait.ge [sflag:s23], $0x1  }
0xa3: {  	[sflag:s23] =	ssyncset.done $0x0  }
0xa4: {  	s25 =	simm.s32 $0x1B8E;
	s24 =	sld [smem:$0x3FFE];
	[sflag:s23] =	ssyncadd.s32 $0xFFFFFFFF  }
0xa5: {  	s26 =	simm.s32 $execute0_lowered;
	[smem:$0x3FD2] =	sst s25  }
0xa6: {  	s5 =	sshll.u32 s26, $0x1;
	_ =	strace $0x80000046;
	[dreg:$0x1] =	wrdreg $0xFFFFFFFF  }
0xa7: {  	s28 =	simm.s32 $_size_execute0_lowered;
	s3 =	sadd.s32 s3, s5;
	[dreg:$0x0] =	wrdreg $0x0  }
0xa8: {  	s5 =	sshll.u32 s28, $0x1;
	[dreg:$0x2] =	wrdreg s3  }
0xa9: {  	[dreg:$0x3] =	wrdreg s5  }
0xaa: {  	[dreg:$0x4] =	wrdreg $0xC0  }
0xab: {  	_ =	task [dreg:s7], $0x5FFFF  }
0xac: {  	[dreg:$0x1] =	wrdreg $0xFFFFFFFF  }
0xad: {  	[dreg:$0x0] =	wrdreg $0x60  }
0xae: {  	[dreg:$0x2] =	wrdreg s2  }
0xaf: {  	[dreg:$0x3] =	wrdreg s24  }
0xb0: {  	[dreg:$0x4] =	wrdreg $0xA  }
0xb1: {  	_ =	task.clear_ibuf [dreg:s7], $0x5FFFF;
	_ =	strace $0x90000046  }
0xb2: {  	s29 =	simm.s32 $0xA;
	_ =	strace $0x80000048  }
0xb3: {  	_ =	swait.ge [sflag:s29], $0x1  }
0xb4: {  	[sflag:s29] =	ssyncadd.s32 $0xFFFFFFFF  }
0xb5: {  	_ =	strace $0x90000048  }
0xb6: {  	_ =	sfence  }
0xb7: {  	s30 =	sld [smem:$0x0];
	_ =	sdelay $0x2  }
0xb8: {  	s31 =	sshll.u32 s1, $0xD;
	s1 =	sshrl.u32 s1, $0x2  }
0xb9: {  	s3 =	sand.u32 $0x4000, s31;
	s1 =	sadd.s32 s1, s30  }
0xba: {  	s0 =	sor.u32 s3, s0;
	s1 =	sshll.u32 s1, $0x11  }
0xbb: {  	s0 =	sor.u32 s1, s0  }
0xbc: {  	s0 =	sadd.s32 $0x8F2B, s0  }
0xbd: {  	[sflag:s0] =	ssyncadd.remote.s32 $0x1  }
0xbe: {  	_ =	sfence.sel $0xFFFF  }
0xbf: {  	[dreg:$0x0] =	wrdreg $0xFFFFFFFF;
	(pc) =	sbr.abs _section_cstart, $3  }
0xc0: {  	[dreg:$0x1] =	wrdreg $0xFFFFFFFF  }
0xc1: {  	_ =	task.clear_ibuf [dreg:s7], $0x2FFFF;
	_ =	strace $0x9FFFFFFF  }
0xc2: {  	(tm) =	ssettm $0x7FFFFFFF  }
0xc3: {  	_ =	shalt  }
tec
execute0_lowered:
.L_overlay_start_1:
0x0: {  	(tag) =	ssettag $0x1  }
0x1: {  	s3 =	rddreg [dreg:$0x0]  }
0x2: {  	s4 =	rddreg [dreg:$0x1];
	s5 =	srdreg.scid  }
0x3: {  	s0 =	rddreg [dreg:$0x2];
	s5 =	sand.u32 $0x1, s5  }
0x4: {  	s2 =	simm.s32 $0x0;
	s1 =	stileid.u32;
	s31 =	ssub.s32 $0x2, s5  }
0x5: {  	s6 =	sshll.u32 s1, $0xA;
	s7 =	sshll.u32 s5, $0x9;
	s9 =	sshrl.u32 s31, $0x1  }
0x6: {  	s10 =	simm.s32 $0x100;
	s6 =	sor.u32 s7, s6;
	s7 =	ssub.s32 s31, s9  }
0x7: {  	s11 =	simm.s32 $0x200;
	s13 =	simm.s32 $0x300;
	s15 =	smax.u32 s7, $0x1  }
0x8: {  	s12 =	simm.s32 $0x1;
	[smem:$0x7FF] =	sst s2;
	p1 =	sne.s32 s15, $0x1  }
.Ltmp0:
0x9: {  	p0 =	por $0x0, $0x0;
	_ =	strace $0x80000047;
	(pc) =	sbr.rel @!p1 .LBB2_3-.Ltmp0, $4  }
0xa: {  	s5 =	sadd.s32 $0x2000, s4;
	s8 =	sshll.u32 s6, $0x4;
	s6 =	sshrl.u32 s6, $0x3  }
0xb: {  	s9 =	simm.s32 $0x400;
	s4 =	sadd.s32 s8, s4;
	s14 =	sadd.s32 s3, s6  }
0xc: {  	s3 =	simm.s32 $0x3;
	s7 =	simm.s32 $0x8400;
	s8 =	simm.s32 $0x2  }
0xd: {  	s6 =	sadd.s32 $0x1EA600, s4;
	s4 =	sadd.s32 $0x1EB600, s4;
	s15 =	sadd.s32 $0xFFFFFFFF, s15  }
0xe: {  	[tilespmem:s2], [sflag:$0x3] =	stream.linear.gather [hbm4b:s14+s2], $0x200, $0x38;
	[tilespmem:$0x10400] =	vst v63  }
0xf: {  	_ =	swait.ge [sflag:s3], $0x200  }
0x10: {  	[sflag:s3] =	ssyncset.done $0x0  }
0x11: {  	[sflag:s3] =	ssyncadd.s32 $0xFFFFFE00  }
0x12: {  	v0 =	vld [tilespmem:$0x130]  }
0x13: {  	v1 =	vld [tilespmem:$0x190]  }
0x14: {  	v2 =	vld [tilespmem:$0x60]  }
0x15: {  	v3 =	vld [tilespmem:$0x110]  }
0x16: {  	v4 =	vld [tilespmem:$0x70]  }
0x17: {  	v5 =	vld [tilespmem:$0x140]  }
0x18: {  	v6 =	vld [tilespmem:$0x180]  }
0x19: {  	v7 =	vld [tilespmem:$0x0];
	v1 =	vshrl.u32 v1, $0x3  }
0x1a: {  	v2 =	vshrl.u32 v2, $0x3;
	[tilespmem:$0x390] =	vst v1  }
0x1b: {  	v0 =	vshrl.u32 v0, $0x3;
	v1 =	vld [tilespmem:$0x1B0];
	[tilespmem:$0x260] =	vst v2  }
0x1c: {  	v5 =	vshrl.u32 v5, $0x3;
	v2 =	vshrl.u32 v3, $0x3;
	v3 =	vld [tilespmem:$0x10];
	[tilespmem:$0x330] =	vst v0  }
0x1d: {  	v4 =	vshrl.u32 v4, $0x3;
	v0 =	vld [tilespmem:$0x120];
	[tilespmem:$0x340] =	vst v5  }
0x1e: {  	v5 =	vshrl.u32 v6, $0x3;
	v6 =	vshrl.u32 v7, $0x3;
	v7 =	vld [tilespmem:$0x160];
	[tilespmem:$0x270] =	vst v4  }
0x1f: {  	[tilespmem:$0x310] =	vst v2;
	v2 =	vld [tilespmem:$0x20]  }
0x20: {  	[tilespmem:$0x380] =	vst v5;
	v5 =	vld [tilespmem:$0x1A0]  }
0x21: {  	[tilespmem:$0x200] =	vst v6;
	v6 =	vld [tilespmem:$0x170];
	v1 =	vshrl.u32 v1, $0x3  }
0x22: {  	v8 =	vld [tilespmem:$0xB0];
	v0 =	vshrl.u32 v0, $0x3;
	[tilespmem:$0x3B0] =	vst v1  }
0x23: {  	v1 =	vshrl.u32 v3, $0x3;
	v3 =	vld [tilespmem:$0x1F0];
	[tilespmem:$0x320] =	vst v0  }
0x24: {  	v7 =	vshrl.u32 v7, $0x3;
	[tilespmem:$0x210] =	vst v1;
	v1 =	vshrl.u32 v2, $0x3;
	v2 =	vld [tilespmem:$0x1C0]  }
0x25: {  	v0 =	vld [tilespmem:$0x1E0];
	[tilespmem:$0x360] =	vst v7  }
0x26: {  	v6 =	vshrl.u32 v6, $0x3;
	[tilespmem:$0x220] =	vst v1;
	v1 =	vshrl.u32 v5, $0x3;
	v5 =	vld [tilespmem:$0xE0]  }
0x27: {  	[tilespmem:$0x370] =	vst v6;
	v6 =	vld [tilespmem:$0xC0]  }
0x28: {  	[tilespmem:$0x3A0] =	vst v1;
	v1 =	vld [tilespmem:$0x1D0];
	v3 =	vshrl.u32 v3, $0x3  }
0x29: {  	[tilespmem:$0x3F0] =	vst v3;
	v2 =	vshrl.u32 v2, $0x3;
	v3 =	vld [tilespmem:$0xD0]  }
0x2a: {  	v0 =	vshrl.u32 v0, $0x3;
	[tilespmem:$0x3C0] =	vst v2;
	v2 =	vld [tilespmem:$0x40]  }
0x2b: {  	v7 =	vld [tilespmem:$0x100];
	[tilespmem:$0x3E0] =	vst v0;
	v5 =	vshrl.u32 v5, $0x3  }
0x2c: {  	v4 =	vshrl.u32 v6, $0x3;
	[tilespmem:$0x2E0] =	vst v5;
	v5 =	vld [tilespmem:$0x50]  }
0x2d: {  	p1 =	sne.s32 s15, $0x1;
	v0 =	vld [tilespmem:$0x30];
	[tilespmem:$0x2C0] =	vst v4;
	v1 =	vshrl.u32 v1, $0x3  }
.Ltmp1:
0x2e: {  	[tilespmem:$0x3D0] =	vst v1;
	v1 =	vld [tilespmem:$0xA0];
	v3 =	vshrl.u32 v3, $0x3;
	(pc) =	sbr.rel @!p1 .LBB2_3-.Ltmp1, $4  }
0x2f: {  	[tilespmem:$0x2D0] =	vst v3;
	v3 =	vshrl.u32 v2, $0x3;
	v2 =	vld [tilespmem:$0x90]  }
0x30: {  	v4 =	vshrl.u32 v7, $0x3;
	[tilespmem:$0x240] =	vst v3;
	v3 =	vld [tilespmem:$0xF0]  }
0x31: {  	[tilespmem:$0x300] =	vst v4;
	v4 =	vld [tilespmem:$0x150];
	v5 =	vshrl.u32 v5, $0x3  }
0x32: {  	s15 =	sadd.s32 $0xFFFFFFFF, s15;
	p0 =	por $0x1, $0x1;
	v6 =	vshrl.u32 v8, $0x3;
	v0 =	vshrl.u32 v0, $0x3;
	[tilespmem:$0x250] =	vst v5;
	v5 =	vld [tilespmem:$0x80]  }
.LBB2_2:
0x33: {  	p1 =	sne.s32 s15, $0x1;
	s15 =	sadd.s32 $0xFFFFFFFF, s15;
	v1 =	vshrl.u32 v1, $0x3;
	[tilespmem:$0x2B0] =	vst v6  }
0x34: {  	v2 =	vshrl.u32 v2, $0x3;
	[tilespmem:$0x2A0] =	vst v1  }
0x35: {  	[tilespmem:$0x290] =	vst v2;
	v1 =	vshrl.u32 v3, $0x3  }
0x36: {  	[tilespmem:$0x2F0] =	vst v1;
	v1 =	vshrl.u32 v4, $0x3  }
0x37: {  	v2 =	vshrl.u32 v5, $0x3;
	[tilespmem:$0x350] =	vst v1  }
0x38: {  	[tilespmem:$0x280] =	vst v2  }
0x39: {  	[tilespmem:$0x230] =	vst v0  }
0x3a: {  	[tilespmem:s9], [sflag:$0x1] =	stream.indirect.gather [hbm4b:s5+s10], $0x80, s11, s10, $0xb8;
	[tilespmem:$0x10400] =	vst v63  }
0x3b: {  	_ = 	snop  }
0x3c: {  	[tilespmem:s7], [sflag:$0x2] =	stream.indirect.gather [hbm4b:s5+s10], $0x80, s13, s10, $0xb8;
	[tilespmem:$0x10400] =	vst v63  }
0x3d: {  	_ =	swait.ge [sflag:s12], $0x8000  }
0x3e: {  	[sflag:s12] =	ssyncset.done $0x0  }
0x3f: {  	[sflag:s12] =	ssyncadd.s32 $0xFFFF8000  }
0x40: {  	[hbm4b:s6+s2] =	stream.linear.scatter [tilespmem:s9], [sflag:$0x3], $0x8000, $0x38;
	[tilespmem:$0x10400] =	vst v63  }
0x41: {  	_ =	swait.ge [sflag:s3], $0x8000  }
0x42: {  	[sflag:s3] =	ssyncset.done $0x0  }
0x43: {  	[sflag:s3] =	ssyncadd.s32 $0xFFFF8000  }
0x44: {  	_ =	swait.ge [sflag:s8], $0x8000  }
0x45: {  	[sflag:s8] =	ssyncset.done $0x0  }
0x46: {  	[sflag:s8] =	ssyncadd.s32 $0xFFFF8000  }
0x47: {  	[hbm4b:s4+s2] =	stream.linear.scatter [tilespmem:s7], [sflag:$0x3], $0x8000, $0x38;
	[tilespmem:$0x10400] =	vst v63  }
0x48: {  	_ =	swait.ge [sflag:s3], $0x8000  }
0x49: {  	[sflag:s3] =	ssyncset.done $0x0  }
0x4a: {  	[sflag:s3] =	ssyncadd.s32 $0xFFFF8000  }
0x4b: {  	[tilespmem:s2], [sflag:$0x3] =	stream.linear.gather [hbm4b:s14+s2], $0x200, $0x38;
	[tilespmem:$0x10400] =	vst v63  }
0x4c: {  	_ =	swait.ge [sflag:s3], $0x200  }
0x4d: {  	[sflag:s3] =	ssyncset.done $0x0  }
0x4e: {  	[sflag:s3] =	ssyncadd.s32 $0xFFFFFE00  }
0x4f: {  	v0 =	vld [tilespmem:$0x130]  }
0x50: {  	v1 =	vld [tilespmem:$0x190]  }
0x51: {  	v2 =	vld [tilespmem:$0x110]  }
0x52: {  	v3 =	vld [tilespmem:$0x60]  }
0x53: {  	v4 =	vld [tilespmem:$0x70]  }
0x54: {  	v5 =	vld [tilespmem:$0x140]  }
0x55: {  	v6 =	vld [tilespmem:$0x0]  }
0x56: {  	v1 =	vshrl.u32 v1, $0x3;
	v2 =	vshrl.u32 v2, $0x3;
	v7 =	vld [tilespmem:$0x180]  }
0x57: {  	v0 =	vshrl.u32 v0, $0x3;
	v3 =	vshrl.u32 v3, $0x3;
	[tilespmem:$0x390] =	vst v1;
	v1 =	vld [tilespmem:$0x1B0]  }
0x58: {  	v8 =	vld [tilespmem:$0x10];
	[tilespmem:$0x260] =	vst v3;
	v3 =	vshrl.u32 v4, $0x3  }
0x59: {  	v4 =	vld [tilespmem:$0x120];
	[tilespmem:$0x330] =	vst v0;
	v0 =	vshrl.u32 v5, $0x3  }
0x5a: {  	v5 =	vshrl.u32 v6, $0x3;
	v6 =	vld [tilespmem:$0x20];
	[tilespmem:$0x310] =	vst v2  }
0x5b: {  	[tilespmem:$0x340] =	vst v0;
	v0 =	vld [tilespmem:$0x170];
	v2 =	vshrl.u32 v7, $0x3  }
0x5c: {  	[tilespmem:$0x380] =	vst v2;
	v2 =	vld [tilespmem:$0x1A0];
	v1 =	vshrl.u32 v1, $0x3  }
0x5d: {  	v7 =	vshrl.u32 v8, $0x3;
	v8 =	vld [tilespmem:$0x160];
	[tilespmem:$0x3B0] =	vst v1  }
0x5e: {  	[tilespmem:$0x200] =	vst v5;
	v1 =	vshrl.u32 v4, $0x3;
	v4 =	vld [tilespmem:$0x1F0]  }
0x5f: {  	[tilespmem:$0x210] =	vst v7;
	v5 =	vshrl.u32 v6, $0x3;
	v6 =	vld [tilespmem:$0x1C0]  }
0x60: {  	[tilespmem:$0x320] =	vst v1;
	v0 =	vshrl.u32 v0, $0x3;
	v1 =	vld [tilespmem:$0x1E0]  }
0x61: {  	[tilespmem:$0x220] =	vst v5;
	v5 =	vld [tilespmem:$0x100];
	v2 =	vshrl.u32 v2, $0x3  }
0x62: {  	v7 =	vld [tilespmem:$0xE0];
	v8 =	vshrl.u32 v8, $0x3;
	[tilespmem:$0x3A0] =	vst v2  }
0x63: {  	[tilespmem:$0x360] =	vst v8;
	v2 =	vld [tilespmem:$0x1D0];
	v4 =	vshrl.u32 v4, $0x3  }
0x64: {  	v8 =	vld [tilespmem:$0x40];
	v6 =	vshrl.u32 v6, $0x3;
	[tilespmem:$0x3F0] =	vst v4  }
0x65: {  	v4 =	vld [tilespmem:$0xD0];
	[tilespmem:$0x370] =	vst v0;
	v0 =	vshrl.u32 v1, $0x3  }
0x66: {  	v9 =	vld [tilespmem:$0xC0];
	v5 =	vshrl.u32 v5, $0x3;
	[tilespmem:$0x3C0] =	vst v6  }
0x67: {  	v6 =	vld [tilespmem:$0x30];
	v1 =	vshrl.u32 v7, $0x3;
	[tilespmem:$0x3E0] =	vst v0  }
0x68: {  	[tilespmem:$0x2E0] =	vst v1;
	v0 =	vshrl.u32 v2, $0x3  }
0x69: {  	v7 =	vshrl.u32 v8, $0x3;
	v8 =	vld [tilespmem:$0x50];
	[tilespmem:$0x3D0] =	vst v0  }
0x6a: {  	[tilespmem:$0x270] =	vst v3;
	v10 =	vld [tilespmem:$0xB0];
	v0 =	vshrl.u32 v4, $0x3  }
.Ltmp2:
0x6b: {  	v1 =	vld [tilespmem:$0xA0];
	v3 =	vshrl.u32 v9, $0x3;
	[tilespmem:$0x2D0] =	vst v0;
	(pc) =	sbr.rel @p1 .LBB2_2-.Ltmp2, $4  }
0x6c: {  	v0 =	vshrl.u32 v6, $0x3;
	v2 =	vld [tilespmem:$0x90];
	[tilespmem:$0x2C0] =	vst v3  }
0x6d: {  	[tilespmem:$0x240] =	vst v7;
	v3 =	vld [tilespmem:$0xF0]  }
0x6e: {  	v6 =	vshrl.u32 v8, $0x3;
	[tilespmem:$0x300] =	vst v5;
	v4 =	vld [tilespmem:$0x150]  }
0x6f: {  	[tilespmem:$0x250] =	vst v6;
	v5 =	vld [tilespmem:$0x80];
	v6 =	vshrl.u32 v10, $0x3  }
.LBB2_3:
0x70: {  	[tilespmem:$0x2B0] =	vst @p0 v6  }
0x71: {  	v1 =	vshrl.u32 @p0 v1, $0x3;
	[tilespmem:$0x230] =	vst @p0 v0  }
0x72: {  	v2 =	vshrl.u32 @p0 v2, $0x3;
	[tilespmem:$0x2A0] =	vst @p0 v1  }
0x73: {  	[tilespmem:$0x290] =	vst @p0 v2;
	v1 =	vshrl.u32 @p0 v3, $0x3  }
0x74: {  	[tilespmem:$0x2F0] =	vst @p0 v1;
	v1 =	vshrl.u32 @p0 v4, $0x3  }
0x75: {  	v2 =	vshrl.u32 @p0 v5, $0x3;
	[tilespmem:$0x350] =	vst @p0 v1  }
0x76: {  	[tilespmem:$0x280] =	vst @p0 v2  }
0x77: {  	[tilespmem:s9], [sflag:$0x1] =	stream.indirect.gather @p0 [hbm4b:s5+s10], $0x80, s11, s10, $0xb8;
	[tilespmem:$0x10400] =	vst v63  }
0x78: {  	_ = 	snop  }
0x79: {  	[tilespmem:s7], [sflag:$0x2] =	stream.indirect.gather @p0 [hbm4b:s5+s10], $0x80, s13, s10, $0xb8;
	[tilespmem:$0x10400] =	vst v63  }
0x7a: {  	_ =	swait.ge @p0 [sflag:s12], $0x8000  }
0x7b: {  	[sflag:s12] =	ssyncset.done @p0 $0x0  }
0x7c: {  	[sflag:s12] =	ssyncadd.s32 @p0 $0xFFFF8000  }
0x7d: {  	[hbm4b:s6+s2] =	stream.linear.scatter @p0 [tilespmem:s9], [sflag:$0x3], $0x8000, $0x38;
	[tilespmem:$0x10400] =	vst v63  }
0x7e: {  	_ =	swait.ge @p0 [sflag:s3], $0x8000  }
0x7f: {  	[sflag:s3] =	ssyncset.done @p0 $0x0  }
0x80: {  	[sflag:s3] =	ssyncadd.s32 @p0 $0xFFFF8000  }
0x81: {  	_ =	swait.ge @p0 [sflag:s8], $0x8000  }
0x82: {  	[sflag:s8] =	ssyncset.done @p0 $0x0  }
0x83: {  	[sflag:s8] =	ssyncadd.s32 @p0 $0xFFFF8000  }
0x84: {  	[hbm4b:s4+s2] =	stream.linear.scatter @p0 [tilespmem:s7], [sflag:$0x3], $0x8000, $0x38;
	[tilespmem:$0x10400] =	vst v63  }
0x85: {  	_ =	swait.ge @p0 [sflag:s3], $0x8000  }
0x86: {  	[sflag:s3] =	ssyncset.done @p0 $0x0  }
0x87: {  	[sflag:s3] =	ssyncadd.s32 @p0 $0xFFFF8000  }
0x88: {  	[tilespmem:s2], [sflag:$0x3] =	stream.linear.gather [hbm4b:s14+s2], $0x200, $0x38;
	[tilespmem:$0x10400] =	vst v63  }
0x89: {  	_ =	swait.ge [sflag:s3], $0x200  }
0x8a: {  	[sflag:s3] =	ssyncset.done $0x0  }
0x8b: {  	[sflag:s3] =	ssyncadd.s32 $0xFFFFFE00  }
0x8c: {  	v19 =	vld [tilespmem:$0x190]  }
0x8d: {  	v20 =	vld [tilespmem:$0x60]  }
0x8e: {  	v21 =	vld [tilespmem:$0x130]  }
0x8f: {  	v22 =	vld [tilespmem:$0x110]  }
0x90: {  	v23 =	vld [tilespmem:$0x140]  }
0x91: {  	v24 =	vld [tilespmem:$0x180];
	v0 =	vshrl.u32 v19, $0x3  }
0x92: {  	v26 =	vld [tilespmem:$0x0];
	v1 =	vshrl.u32 v20, $0x3;
	[tilespmem:$0x390] =	vst v0  }
0x93: {  	v28 =	vld [tilespmem:$0x10];
	v2 =	vshrl.u32 v21, $0x3;
	[tilespmem:$0x260] =	vst v1  }
0x94: {  	v30 =	vld [tilespmem:$0x20];
	v27 =	vshrl.u32 v22, $0x3;
	[tilespmem:$0x330] =	vst v2  }
0x95: {  	v32 =	vld [tilespmem:$0x1A0];
	v4 =	vshrl.u32 v23, $0x3;
	[tilespmem:$0x310] =	vst v27  }
0x96: {  	v34 =	vld [tilespmem:$0x160];
	v31 =	vshrl.u32 v24, $0x3;
	[tilespmem:$0x340] =	vst v4  }
0x97: {  	v36 =	vld [tilespmem:$0x1F0];
	v33 =	vshrl.u32 v26, $0x3;
	[tilespmem:$0x380] =	vst v31  }
0x98: {  	v37 =	vld [tilespmem:$0x170];
	v35 =	vshrl.u32 v28, $0x3;
	[tilespmem:$0x200] =	vst v33  }
0x99: {  	v44 =	vld [tilespmem:$0x70];
	v38 =	vshrl.u32 v30, $0x3;
	[tilespmem:$0x210] =	vst v35  }
0x9a: {  	v50 =	vld [tilespmem:$0x50];
	v41 =	vshrl.u32 v32, $0x3;
	[tilespmem:$0x220] =	vst v38  }
0x9b: {  	v53 =	vld [tilespmem:$0x90];
	v6 =	vshrl.u32 v34, $0x3;
	[tilespmem:$0x3A0] =	vst v41  }
0x9c: {  	v54 =	vld [tilespmem:$0xF0];
	v3 =	vshrl.u32 v36, $0x3;
	[tilespmem:$0x360] =	vst v6  }
0x9d: {  	v56 =	vld [tilespmem:$0x150];
	v5 =	vshrl.u32 v37, $0x3;
	[tilespmem:$0x3F0] =	vst v3  }
0x9e: {  	v57 =	vld [tilespmem:$0x80];
	v49 =	vshrl.u32 v44, $0x3;
	[tilespmem:$0x370] =	vst v5  }
0x9f: {  	v58 =	vld [tilespmem:$0x30];
	v55 =	vshrl.u32 v50, $0x3;
	[tilespmem:$0x270] =	vst v49  }
0xa0: {  	v25 =	vld [tilespmem:$0x1B0];
	v59 =	vshrl.u32 v53, $0x3;
	[tilespmem:$0x250] =	vst v55  }
0xa1: {  	v29 =	vld [tilespmem:$0x120];
	v60 =	vshrl.u32 v54, $0x3;
	[tilespmem:$0x290] =	vst v59  }
0xa2: {  	v39 =	vld [tilespmem:$0x1C0];
	v61 =	vshrl.u32 v56, $0x3;
	[tilespmem:$0x2F0] =	vst v60  }
0xa3: {  	v42 =	vld [tilespmem:$0xE0];
	v62 =	vshrl.u32 v57, $0x3;
	[tilespmem:$0x350] =	vst v61  }
0xa4: {  	v45 =	vld [tilespmem:$0xD0];
	v63 =	vshrl.u32 v58, $0x3;
	[tilespmem:$0x280] =	vst v62  }
0xa5: {  	v46 =	vld [tilespmem:$0xC0];
	v0 =	vshrl.u32 v25, $0x3;
	[tilespmem:$0x230] =	vst v63  }
0xa6: {  	v40 =	vld [tilespmem:$0x1E0];
	v2 =	vshrl.u32 v29, $0x3;
	[tilespmem:$0x3B0] =	vst v0  }
0xa7: {  	v43 =	vld [tilespmem:$0x1D0];
	v1 =	vshrl.u32 v39, $0x3;
	[tilespmem:$0x320] =	vst v2  }
0xa8: {  	v47 =	vld [tilespmem:$0x40];
	v4 =	vshrl.u32 v42, $0x3;
	[tilespmem:$0x3C0] =	vst v1  }
0xa9: {  	v52 =	vld [tilespmem:$0xA0];
	v3 =	vshrl.u32 v45, $0x3;
	[tilespmem:$0x2E0] =	vst v4  }
0xaa: {  	v48 =	vld [tilespmem:$0x100];
	v5 =	vshrl.u32 v46, $0x3;
	[tilespmem:$0x2D0] =	vst v3  }
0xab: {  	v51 =	vld [tilespmem:$0xB0];
	v2 =	vshrl.u32 v40, $0x3;
	[tilespmem:$0x2C0] =	vst v5  }
0xac: {  	v0 =	vshrl.u32 v43, $0x3;
	[tilespmem:$0x3E0] =	vst v2  }
0xad: {  	v1 =	vshrl.u32 v47, $0x3;
	[tilespmem:$0x3D0] =	vst v0  }
0xae: {  	v4 =	vshrl.u32 v52, $0x3;
	[tilespmem:$0x240] =	vst v1  }
0xaf: {  	v2 =	vshrl.u32 v48, $0x3;
	[tilespmem:$0x2A0] =	vst v4  }
0xb0: {  	v0 =	vshrl.u32 v51, $0x3;
	[tilespmem:$0x300] =	vst v2  }
0xb1: {  	[tilespmem:$0x2B0] =	vst v0  }
0xb2: {  	[tilespmem:s9], [sflag:$0x1] =	stream.indirect.gather [hbm4b:s5+s10], $0x80, s11, s10, $0xb8;
	[tilespmem:$0x10400] =	vst v63  }
0xb3: {  	_ = 	snop  }
0xb4: {  	[tilespmem:s7], [sflag:$0x2] =	stream.indirect.gather [hbm4b:s5+s10], $0x80, s13, s10, $0xb8;
	[tilespmem:$0x10400] =	vst v63  }
0xb5: {  	_ =	swait.ge [sflag:s12], $0x8000  }
0xb6: {  	[sflag:s12] =	ssyncset.done $0x0  }
0xb7: {  	[sflag:s12] =	ssyncadd.s32 $0xFFFF8000  }
0xb8: {  	[hbm4b:s6+s2] =	stream.linear.scatter [tilespmem:s9], [sflag:$0x3], $0x8000, $0x38;
	[tilespmem:$0x10400] =	vst v63  }
0xb9: {  	_ =	swait.ge [sflag:s3], $0x8000  }
0xba: {  	[sflag:s3] =	ssyncset.done $0x0  }
0xbb: {  	[sflag:s3] =	ssyncadd.s32 $0xFFFF8000  }
0xbc: {  	_ =	swait.ge [sflag:s8], $0x8000  }
0xbd: {  	[sflag:s8] =	ssyncset.done $0x0  }
0xbe: {  	[sflag:s8] =	ssyncadd.s32 $0xFFFF8000  }
0xbf: {  	[hbm4b:s4+s2] =	stream.linear.scatter [tilespmem:s7], [sflag:$0x3], $0x8000, $0x38;
	[tilespmem:$0x10400] =	vst v63  }
0xc0: {  	_ =	swait.ge [sflag:s3], $0x8000  }
0xc1: {  	[sflag:s3] =	ssyncset.done $0x0  }
0xc2: {  	[sflag:s3] =	ssyncadd.s32 $0xFFFF8000  }
0xc3: {  	_ =	sfence.sel $0x180000  }
0xc4: {  	[bflag:$0x0] =	sbarrier.arrive $0xFFFF  }
0xc5: {  	p0 =	sne.s32 s1, $0x0;
	_ =	strace $0x90000047  }
0xc6: {  	s0 =	sadd.s32 @!p0 $0x100000, s0;
	[bflag:$0x2] =	sbarrier.arrive $0xFFFF  }
0xc7: {  	[sflag:s0] =	ssyncadd.tile.s32 @!p0 $0x1;
	_ =	shalt  }
.Lfunc_end2:
_tile_overlayer_lowered:
.L_overlay_start_2:
0xc8: {  	(tag) =	ssettag $0x2  }
0xc9: {  	s0 =	rddreg [dreg:$0x0];
	s2 =	stileid.u32  }
0xca: {  	s1 =	rddreg [dreg:$0x1];
	p0 =	sne.s32 s2, $0x0  }
0xcb: {  	s3 =	rddreg [dreg:$0x2];
	[bflag:$0x3] =	sbarrier.arrive $0xFFFF;
	s2 =	simm.s32 @!p0 $0x1C03  }
0xcc: {  	[timem:s3], [sflag:s2] =	dma.local @!p0 [hbm:s0], s1  }
0xcd: {  	s0 =	simm.s32 @!p0 $0x3  }
0xce: {  	_ =	swait.ge @!p0 [sflag:s0], s1  }
0xcf: {  	s1 =	ssub.s32 @!p0 $0x0, s1;
	[sflag:s0] =	ssyncset.done @!p0 $0x0  }
0xd0: {  	[sflag:s0] =	ssyncadd.s32 @!p0 s1  }
0xd1: {  	[bflag:$0x3] =	sbarrier.arrive $0xFFFF  }
0xd2: {  	_ =	shalt  }

// kernel: kernel.7.cloned.1.call-start
scs
__scs_entry_jumppad:
0x0: {  	(pc) =	sbr.rel $0x88, $3  }
0x1: {  	(tag) =	ssettag $0x0;
	lr =	simm.s32 $0x1  }
0x2: {  	[smem:$0x3F98] =	sst lr;
	_ =	strace $0xD0000000  }
0x3: {  	_ = 	snop  }
0x4: {  	_ = 	snop  }
0x5: {  	_ = 	snop  }
0x6: {  	_ = 	snop  }
0x7: {  	_ = 	snop  }
__scs_overlays_trampoline_lowered:
0x8: {  	[smem:$0x3FA7] =	sst s0  }
0x9: {  	[smem:$0x3FA8] =	sst s1  }
0xa: {  	[smem:$0x3FA9] =	sst s2  }
0xb: {  	[smem:$0x3FAA] =	sst s3  }
0xc: {  	[smem:$0x3FAB] =	sst s4  }
0xd: {  	[smem:$0x3FAC] =	sst s5  }
0xe: {  	[smem:$0x3FAD] =	sst s6  }
0xf: {  	[smem:$0x3FAE] =	sst s7  }
0x10: {  	[smem:$0x3FAF] =	sst s8  }
0x11: {  	[smem:$0x3FB0] =	sst s9;
	s0 =	simm.s32 @!p0 $0x0  }
0x12: {  	s1 =	sld [smem:$0x3F96];
	s0 =	simm.s32 @p0 $0x1  }
0x13: {  	[smem:$0x3FB1] =	sst s0;
	s0 =	simm.s32 @!p1 $0x0  }
0x14: {  	s2 =	sld [smem:$0x3F95];
	s0 =	simm.s32 @p1 $0x1  }
0x15: {  	[smem:$0x3FB2] =	sst s0;
	s0 =	simm.s32 @!p2 $0x0  }
0x16: {  	s3 =	sld [smem:$0x3FDB];
	s0 =	simm.s32 @p2 $0x1  }
0x17: {  	s4 =	simm.s32 $0x1BF5;
	[smem:$0x3FB4] =	sst s0  }
0x18: {  	s0 =	sld [smem:$0x3F97];
	_ =	swait.ge [sflag:s4], $0x0  }
0x19: {  	s7 =	sld [smem:$0x3F98]  }
0x1a: {  	s8 =	sadd.s32 $0xFFFFE003, lr  }
0x1b: {  	s9 =	sadd.s32 $0xFFFFFEF7, lr;
	s5 =	simm.s32 $0xFFFFFFFF;
	p2 =	slt.u32 s8, $0xFFFFF086  }
0x1c: {  	p1 =	slt.u32 s9, $0xF7A;
	s5 =	simm.s32 @!p2 $0x0  }
0x1d: {  	s5 =	simm.s32 @p1 $0x1;
	p0 =	seq.s32 s7, s2  }
0x1e: {  	s7 =	smul.u32 @!p0 $0xF7A, s2;
	p2 =	seq.s32 @!p0 s5, $0x0  }
0x1f: {  	s9 =	smul.u32 $0xF7A, s1;
	s8 =	simm.s32 @!p0 $0x1BF5;
	p2 =	por !p2, p0  }
0x20: {  	[sflag:s8] =	ssyncset.s32 @!p0 $0xFFFFF086;
	s6 =	sadd.s32 @!p0 s3, s7;
	s7 =	simm.s32 @!p0 $0x108  }
0x21: {  	s3 =	sadd.s32 s3, s9;
	s6 =	sadd.s32 @!p0 $0x88, s6;
	s7 =	simm.s32 @p2 $0x1082  }
0x22: {  	[simem:s7], [sflag:s8] =	dma.local @!p0 [hbm:s6], $0xF7A  }
0x23: {  	s9 =	sor.u32 $0xD0000000, s2;
	s6 =	simm.s32 $0x108;
	_ =	swait.ge @!p0 [sflag:s8], $0x0  }
0x24: {  	s3 =	sadd.s32 $0x88, s3;
	s6 =	simm.s32 @!p1 $0x1082;
	[sflag:s4] =	ssyncset.s32 $0xFFFFF086  }
0x25: {  	[simem:s6], [sflag:s4] =	dma.local [hbm:s3], $0xF7A  }
0x26: {  	[smem:$0x3F98] =	sst s1;
	(tag) =	ssettag s2;
	_ =	strace s9  }
0x27: {  	s1 =	sld [smem:$0x3FA8]  }
0x28: {  	s2 =	sld [smem:$0x3FA9]  }
0x29: {  	s4 =	sld [smem:$0x3FAB]  }
0x2a: {  	p0 =	seq.s32 s5, $0x0;
	s5 =	sld [smem:$0x3FAC]  }
0x2b: {  	s6 =	sld [smem:$0x3FAD]  }
0x2c: {  	s7 =	sld [smem:$0x3FAE]  }
0x2d: {  	s3 =	simm.s32 $0x108;
	s8 =	sld [smem:$0x3FAF]  }
0x2e: {  	s3 =	simm.s32 @!p0 $0x1082;
	s9 =	sld [smem:$0x3FB0]  }
0x2f: {  	lr =	sadd.s32 s0, s3;
	s0 =	sld [smem:$0x3FA7]  }
0x30: {  	s3 =	sld [smem:$0x3FAA]  }
0x31: {  	[smem:$0x3FB3] =	sst s10  }
0x32: {  	s10 =	sld [smem:$0x3FB1];
	_ =	sdelay $0x3  }
0x33: {  	p0 =	seq.s32 s10, $0x1;
	s10 =	sld [smem:$0x3FB3];
	_ =	sdelay $0x3  }
0x34: {  	[smem:$0x3FB3] =	sst s10  }
0x35: {  	s10 =	sld [smem:$0x3FB2];
	_ =	sdelay $0x3  }
0x36: {  	p1 =	seq.s32 s10, $0x1;
	s10 =	sld [smem:$0x3FB3];
	_ =	sdelay $0x3  }
0x37: {  	[smem:$0x3FB3] =	sst s10  }
0x38: {  	s10 =	sld [smem:$0x3FB4]  }
0x39: {  	_ = 	snop;
	(pc) =	sbr.ind lr, $3  }
0x3a: {  	_ = 	snop  }
0x3b: {  	_ = 	snop  }
0x3c: {  	p2 =	seq.s32 s10, $0x1;
	s10 =	sld [smem:$0x3FB3]  }
0x3d: {  	_ =	shalt  }
0x3e: {  	_ =	shalt  }
0x3f: {  	_ =	shalt  }
0x40: {  	_ =	shalt  }
0x41: {  	_ =	shalt  }
0x42: {  	_ =	shalt  }
0x43: {  	_ =	shalt  }
0x44: {  	_ =	shalt  }
0x45: {  	_ =	shalt  }
0x46: {  	_ =	shalt  }
0x47: {  	_ =	shalt  }
0x48: {  	_ =	shalt  }
0x49: {  	_ =	shalt  }
0x4a: {  	_ =	shalt  }
0x4b: {  	_ =	shalt  }
0x4c: {  	_ =	shalt  }
0x4d: {  	_ =	shalt  }
0x4e: {  	_ =	shalt  }
0x4f: {  	_ =	shalt  }
0x50: {  	_ =	shalt  }
0x51: {  	_ =	shalt  }
0x52: {  	_ =	shalt  }
0x53: {  	_ =	shalt  }
0x54: {  	_ =	shalt  }
0x55: {  	_ =	shalt  }
0x56: {  	_ =	shalt  }
0x57: {  	_ =	shalt  }
0x58: {  	_ =	shalt  }
0x59: {  	_ =	shalt  }
0x5a: {  	_ =	shalt  }
0x5b: {  	_ =	shalt  }
0x5c: {  	_ =	shalt  }
0x5d: {  	_ =	shalt  }
0x5e: {  	_ =	shalt  }
0x5f: {  	_ =	shalt  }
0x60: {  	_ =	shalt  }
0x61: {  	_ =	shalt  }
0x62: {  	_ =	shalt  }
0x63: {  	_ =	shalt  }
0x64: {  	_ =	shalt  }
0x65: {  	_ =	shalt  }
0x66: {  	_ =	shalt  }
0x67: {  	_ =	shalt  }
0x68: {  	_ =	shalt  }
0x69: {  	_ =	shalt  }
0x6a: {  	_ =	shalt  }
0x6b: {  	_ =	shalt  }
0x6c: {  	_ =	shalt  }
0x6d: {  	_ =	shalt  }
0x6e: {  	_ =	shalt  }
0x6f: {  	_ =	shalt  }
0x70: {  	_ =	shalt  }
0x71: {  	_ =	shalt  }
0x72: {  	_ =	shalt  }
0x73: {  	_ =	shalt  }
0x74: {  	_ =	shalt  }
0x75: {  	_ =	shalt  }
0x76: {  	_ =	shalt  }
0x77: {  	_ =	shalt  }
0x78: {  	_ =	shalt  }
0x79: {  	_ =	shalt  }
0x7a: {  	_ =	shalt  }
0x7b: {  	_ =	shalt  }
0x7c: {  	_ =	shalt  }
0x7d: {  	_ =	shalt  }
0x7e: {  	_ =	shalt  }
0x7f: {  	_ =	shalt  }
0x80: {  	_ =	shalt  }
0x81: {  	_ =	shalt  }
0x82: {  	_ =	shalt  }
0x83: {  	_ =	shalt  }
0x84: {  	_ =	shalt  }
0x85: {  	_ =	shalt  }
0x86: {  	_ =	shalt  }
0x87: {  	_ =	shalt  }
.Lfunc_end0:
.L_simem_size_0:
called_computation_lowered:
.L_overlay_start_0:
0x88: {  	s2 =	sld [smem:$0x3FD9]  }
0x89: {  	s3 =	sld [smem:$0x3FFE];
	_ =	sdelay $0x1  }
0x8a: {  	s1 =	srdreg.scid  }
0x8b: {  	s0 =	sand.u32 $0x1, s1  }
0x8c: {  	s17 =	sshll.u32 s0, $0xA;
	s2 =	sadd.s32 s3, s2  }
0x8d: {  	s2 =	sadd.s32 s2, s17  }
0x8e: {  	[smem:$0x3FBF] =	sst s2  }
0x8f: {  	_ = 	snop  }
0x90: {  	(tm) =	ssettm $0x1  }
0x91: {  	s18 =	sld [smem:$0x3FFB];
	_ =	sdelay $0x3  }
0x92: {  	_ =	strace s18  }
0x93: {  	s2 =	sld [smem:$0x3FFC];
	_ =	sdelay $0x3  }
0x94: {  	_ =	strace s2  }
0x95: {  	s2 =	sld [smem:$0x3FFD];
	_ =	sdelay $0x3  }
0x96: {  	_ =	strace s2  }
0x97: {  	_ =	strace $0x8FFFFFFF  }
0x98: {  	s19 =	sld [smem:$0x3FDB];
	_ =	sdelay $0x1  }
0x99: {  	s20 =	simm.s32 $_scs_section_size  }
0x9a: {  	s4 =	simm.s32 $_size__tile_overlayer_lowered;
	s5 =	simm.s32 $_tile_overlayer_lowered  }
0x9b: {  	s6 =	simm.s32 $0x1BFF;
	s21 =	sshll.u32 s5, $0x1;
	s3 =	sadd.s32 s20, s19  }
0x9c: {  	s22 =	simm.s32 $0x0;
	s4 =	sshll.u32 s4, $0x1;
	s5 =	sadd.s32 s21, s3  }
0x9d: {  	[timem:s22], [sflag:s6] =	dma.local [hbm:s5], s4  }
0x9e: {  	_ =	swait.ge [sflag:s6], s4  }
0x9f: {  	s4 =	ssub.s32 $0x0, s4;
	[sflag:s6] =	ssyncset.done $0x0  }
0xa0: {  	[sflag:s6] =	ssyncadd.s32 s4;
	_ =	sdelay $0x1  }
0xa1: {  	s23 =	simm.s32 $0x1B8B  }
0xa2: {  	_ =	swait.ge [sflag:s23], $0x1  }
0xa3: {  	[sflag:s23] =	ssyncset.done $0x0  }
0xa4: {  	[sflag:s23] =	ssyncadd.s32 $0xFFFFFFFF  }
0xa5: {  	s4 =	sld [smem:$0x0]  }
0xa6: {  	s5 =	sand.u32 $0xFFFFFFFE, s1  }
0xa7: {  	p0 =	sne.s32 s1, s5  }
0xa8: {  	s5 =	sshll.u32 @p0 s5, $0xE  }
0xa9: {  	s5 =	sadd.s32 @p0 $0x11B8D, s5;
	s6 =	sshll.u32 @p0 s4, $0x11  }
0xaa: {  	s5 =	sor.u32 @p0 s6, s5  }
0xab: {  	[sflag:s5] =	ssyncadd.remote.s32 @p0 $0x1;
	_ =	sdelay $0x1  }
0xac: {  	s5 =	simm.s32 @p0 $0x1B8D  }
0xad: {  	_ =	swait.eq @p0 [sflag:s5], $0x1  }
0xae: {  	[sflag:s5] =	ssyncadd.s32 @p0 $0xFFFFFFFF  }
0xaf: {  	s6 =	sshll.u32 @!p0 s1, $0xE  }
0xb0: {  	s6 =	sor.u32 @!p0 $0x4000, s6;
	s5 =	simm.s32 @!p0 $0x1B8D  }
0xb1: {  	s4 =	sshll.u32 @!p0 s4, $0x11;
	s6 =	sadd.s32 @!p0 $0x11B8D, s6;
	_ =	swait.eq @!p0 [sflag:s5], $0x1  }
0xb2: {  	s4 =	sor.u32 @!p0 s4, s6;
	[sflag:s5] =	ssyncadd.s32 @!p0 $0xFFFFFFFF  }
0xb3: {  	s25 =	simm.s32 $0x1B8E;
	s24 =	sld [smem:$0x3FFE];
	[sflag:s4] =	ssyncadd.remote.s32 @!p0 $0x1  }
0xb4: {  	s26 =	simm.s32 $execute0_lowered;
	[smem:$0x3FD2] =	sst s25  }
0xb5: {  	s5 =	sshll.u32 s26, $0x1;
	_ =	strace $0x80000049;
	[dreg:$0x1] =	wrdreg $0xFFFFFFFF  }
0xb6: {  	s28 =	simm.s32 $_size_execute0_lowered;
	s3 =	sadd.s32 s3, s5;
	[dreg:$0x0] =	wrdreg $0x0  }
0xb7: {  	s5 =	sshll.u32 s28, $0x1;
	[dreg:$0x2] =	wrdreg s3  }
0xb8: {  	[dreg:$0x3] =	wrdreg s5  }
0xb9: {  	[dreg:$0x4] =	wrdreg $0xC0  }
0xba: {  	_ =	task [dreg:s22], $0x5FFFF  }
0xbb: {  	[dreg:$0x1] =	wrdreg $0xFFFFFFFF  }
0xbc: {  	[dreg:$0x0] =	wrdreg $0x60  }
0xbd: {  	[dreg:$0x2] =	wrdreg s24  }
0xbe: {  	[dreg:$0x3] =	wrdreg $0x9  }
0xbf: {  	_ =	task.clear_ibuf [dreg:s22], $0x4FFFF;
	_ =	strace $0x90000049  }
0xc0: {  	s29 =	simm.s32 $0x9;
	_ =	strace $0x8000004B  }
0xc1: {  	_ =	swait.ge [sflag:s29], $0x1  }
0xc2: {  	[sflag:s29] =	ssyncadd.s32 $0xFFFFFFFF  }
0xc3: {  	_ =	strace $0x9000004B  }
0xc4: {  	_ =	sfence  }
0xc5: {  	s30 =	sld [smem:$0x0];
	_ =	sdelay $0x2  }
0xc6: {  	s31 =	sshll.u32 s1, $0xD;
	s1 =	sshrl.u32 s1, $0x2  }
0xc7: {  	s4 =	sand.u32 $0x4000, s31;
	s1 =	sadd.s32 s1, s30  }
0xc8: {  	s0 =	sor.u32 s4, s0;
	s1 =	sshll.u32 s1, $0x11  }
0xc9: {  	s0 =	sor.u32 s1, s0  }
0xca: {  	s0 =	sadd.s32 $0x8F2B, s0  }
0xcb: {  	[sflag:s0] =	ssyncadd.remote.s32 $0x1  }
0xcc: {  	_ =	sfence.sel $0xFFFF  }
0xcd: {  	[dreg:$0x0] =	wrdreg $0xFFFFFFFF;
	(pc) =	sbr.abs _section_cstart, $3  }
0xce: {  	[dreg:$0x1] =	wrdreg $0xFFFFFFFF  }
0xcf: {  	_ =	task.clear_ibuf [dreg:s22], $0x2FFFF;
	_ =	strace $0x9FFFFFFF  }
0xd0: {  	(tm) =	ssettm $0x7FFFFFFF  }
0xd1: {  	_ =	shalt  }
tec
execute0_lowered:
.L_overlay_start_1:
0x0: {  	(tag) =	ssettag $0x1  }
0x1: {  	s1 =	srdreg.scid;
	s0 =	stileid.u32  }
0x2: {  	s4 =	rddreg [dreg:$0x0];
	s2 =	simm.s32 $0x0;
	s3 =	sand.u32 $0x1, s1  }
0x3: {  	s10 =	simm.s32 $0x100;
	s6 =	sshll.u32 s3, $0x9;
	s3 =	ssub.s32 $0x2, s3  }
0x4: {  	s11 =	simm.s32 $0x200;
	s9 =	simm.s32 $0x400;
	s31 =	sshrl.u32 s3, $0x1  }
0x5: {  	s13 =	simm.s32 $0x300;
	s12 =	simm.s32 $0x1;
	s3 =	ssub.s32 s3, s31  }
0x6: {  	s8 =	simm.s32 $0x2;
	p0 =	por $0x0, $0x0;
	s15 =	smax.u32 s3, $0x1  }
0x7: {  	s5 =	sshll.u32 s0, $0xA;
	s1 =	rddreg [dreg:$0x1];
	p1 =	sne.s32 s15, $0x1  }
.Ltmp0:
0x8: {  	[smem:$0x7FF] =	sst s2;
	s6 =	sor.u32 s6, s5;
	(pc) =	sbr.rel @!p1 .LBB2_3-.Ltmp0, $4  }
0x9: {  	_ =	strace $0x8000004A;
	s5 =	sshrl.u32 s6, $0x3;
	s6 =	sshll.u32 s6, $0x4  }
0xa: {  	s7 =	sadd.s32 s5, s4;
	s5 =	sadd.s32 $0x22A600, s4;
	s4 =	sadd.s32 s6, s4  }
0xb: {  	s3 =	simm.s32 $0x3;
	s14 =	sadd.s32 $0x1800, s7;
	s6 =	sadd.s32 $0x412C00, s4  }
0xc: {  	s4 =	sadd.s32 $0x413C00, s4;
	s7 =	simm.s32 $0x8400;
	s15 =	sadd.s32 $0xFFFFFFFF, s15  }
0xd: {  	[tilespmem:s2], [sflag:$0x3] =	stream.linear.gather [hbm4b:s14+s2], $0x200, $0x38;
	[tilespmem:$0x10400] =	vst v63  }
0xe: {  	_ =	swait.ge [sflag:s3], $0x200  }
0xf: {  	[sflag:s3] =	ssyncset.done $0x0  }
0x10: {  	[sflag:s3] =	ssyncadd.s32 $0xFFFFFE00  }
0x11: {  	v0 =	vld [tilespmem:$0x130]  }
0x12: {  	v1 =	vld [tilespmem:$0x190]  }
0x13: {  	v2 =	vld [tilespmem:$0x60]  }
0x14: {  	v3 =	vld [tilespmem:$0x110]  }
0x15: {  	v4 =	vld [tilespmem:$0x70]  }
0x16: {  	v5 =	vld [tilespmem:$0x140]  }
0x17: {  	v6 =	vld [tilespmem:$0x180]  }
0x18: {  	v7 =	vld [tilespmem:$0x0];
	v1 =	vshrl.u32 v1, $0x3  }
0x19: {  	v2 =	vshrl.u32 v2, $0x3;
	[tilespmem:$0x390] =	vst v1  }
0x1a: {  	v0 =	vshrl.u32 v0, $0x3;
	v1 =	vld [tilespmem:$0x1B0];
	[tilespmem:$0x260] =	vst v2  }
0x1b: {  	v5 =	vshrl.u32 v5, $0x3;
	v2 =	vshrl.u32 v3, $0x3;
	v3 =	vld [tilespmem:$0x10];
	[tilespmem:$0x330] =	vst v0  }
0x1c: {  	v4 =	vshrl.u32 v4, $0x3;
	v0 =	vld [tilespmem:$0x120];
	[tilespmem:$0x340] =	vst v5  }
0x1d: {  	v5 =	vshrl.u32 v6, $0x3;
	v6 =	vshrl.u32 v7, $0x3;
	v7 =	vld [tilespmem:$0x160];
	[tilespmem:$0x270] =	vst v4  }
0x1e: {  	[tilespmem:$0x310] =	vst v2;
	v2 =	vld [tilespmem:$0x20]  }
0x1f: {  	[tilespmem:$0x380] =	vst v5;
	v5 =	vld [tilespmem:$0x1A0]  }
0x20: {  	[tilespmem:$0x200] =	vst v6;
	v6 =	vld [tilespmem:$0x170];
	v1 =	vshrl.u32 v1, $0x3  }
0x21: {  	v8 =	vld [tilespmem:$0xB0];
	v0 =	vshrl.u32 v0, $0x3;
	[tilespmem:$0x3B0] =	vst v1  }
0x22: {  	v1 =	vshrl.u32 v3, $0x3;
	v3 =	vld [tilespmem:$0x1F0];
	[tilespmem:$0x320] =	vst v0  }
0x23: {  	v7 =	vshrl.u32 v7, $0x3;
	[tilespmem:$0x210] =	vst v1;
	v1 =	vshrl.u32 v2, $0x3;
	v2 =	vld [tilespmem:$0x1C0]  }
0x24: {  	v0 =	vld [tilespmem:$0x1E0];
	[tilespmem:$0x360] =	vst v7  }
0x25: {  	v6 =	vshrl.u32 v6, $0x3;
	[tilespmem:$0x220] =	vst v1;
	v1 =	vshrl.u32 v5, $0x3;
	v5 =	vld [tilespmem:$0xE0]  }
0x26: {  	[tilespmem:$0x370] =	vst v6;
	v6 =	vld [tilespmem:$0xC0]  }
0x27: {  	[tilespmem:$0x3A0] =	vst v1;
	v1 =	vld [tilespmem:$0x1D0];
	v3 =	vshrl.u32 v3, $0x3  }
0x28: {  	[tilespmem:$0x3F0] =	vst v3;
	v2 =	vshrl.u32 v2, $0x3;
	v3 =	vld [tilespmem:$0xD0]  }
0x29: {  	v0 =	vshrl.u32 v0, $0x3;
	[tilespmem:$0x3C0] =	vst v2;
	v2 =	vld [tilespmem:$0x40]  }
0x2a: {  	v7 =	vld [tilespmem:$0x100];
	[tilespmem:$0x3E0] =	vst v0;
	v5 =	vshrl.u32 v5, $0x3  }
0x2b: {  	v4 =	vshrl.u32 v6, $0x3;
	[tilespmem:$0x2E0] =	vst v5;
	v5 =	vld [tilespmem:$0x50]  }
0x2c: {  	p1 =	sne.s32 s15, $0x1;
	v0 =	vld [tilespmem:$0x30];
	[tilespmem:$0x2C0] =	vst v4;
	v1 =	vshrl.u32 v1, $0x3  }
.Ltmp1:
0x2d: {  	[tilespmem:$0x3D0] =	vst v1;
	v1 =	vld [tilespmem:$0xA0];
	v3 =	vshrl.u32 v3, $0x3;
	(pc) =	sbr.rel @!p1 .LBB2_3-.Ltmp1, $4  }
0x2e: {  	[tilespmem:$0x2D0] =	vst v3;
	v3 =	vshrl.u32 v2, $0x3;
	v2 =	vld [tilespmem:$0x90]  }
0x2f: {  	v4 =	vshrl.u32 v7, $0x3;
	[tilespmem:$0x240] =	vst v3;
	v3 =	vld [tilespmem:$0xF0]  }
0x30: {  	[tilespmem:$0x300] =	vst v4;
	v4 =	vld [tilespmem:$0x150];
	v5 =	vshrl.u32 v5, $0x3  }
0x31: {  	s15 =	sadd.s32 $0xFFFFFFFF, s15;
	p0 =	por $0x1, $0x1;
	v6 =	vshrl.u32 v8, $0x3;
	v0 =	vshrl.u32 v0, $0x3;
	[tilespmem:$0x250] =	vst v5;
	v5 =	vld [tilespmem:$0x80]  }
.LBB2_2:
0x32: {  	p1 =	sne.s32 s15, $0x1;
	s15 =	sadd.s32 $0xFFFFFFFF, s15;
	v1 =	vshrl.u32 v1, $0x3;
	[tilespmem:$0x2B0] =	vst v6  }
0x33: {  	v2 =	vshrl.u32 v2, $0x3;
	[tilespmem:$0x2A0] =	vst v1  }
0x34: {  	[tilespmem:$0x290] =	vst v2;
	v1 =	vshrl.u32 v3, $0x3  }
0x35: {  	[tilespmem:$0x2F0] =	vst v1;
	v1 =	vshrl.u32 v4, $0x3  }
0x36: {  	v2 =	vshrl.u32 v5, $0x3;
	[tilespmem:$0x350] =	vst v1  }
0x37: {  	[tilespmem:$0x280] =	vst v2  }
0x38: {  	[tilespmem:$0x230] =	vst v0  }
0x39: {  	[tilespmem:s9], [sflag:$0x1] =	stream.indirect.gather [hbm4b:s5+s10], $0x80, s11, s10, $0xb8;
	[tilespmem:$0x10400] =	vst v63  }
0x3a: {  	_ = 	snop  }
0x3b: {  	[tilespmem:s7], [sflag:$0x2] =	stream.indirect.gather [hbm4b:s5+s10], $0x80, s13, s10, $0xb8;
	[tilespmem:$0x10400] =	vst v63  }
0x3c: {  	_ =	swait.ge [sflag:s12], $0x8000  }
0x3d: {  	[sflag:s12] =	ssyncset.done $0x0  }
0x3e: {  	[sflag:s12] =	ssyncadd.s32 $0xFFFF8000  }
0x3f: {  	[hbm4b:s6+s2] =	stream.linear.scatter [tilespmem:s9], [sflag:$0x3], $0x8000, $0x38;
	[tilespmem:$0x10400] =	vst v63  }
0x40: {  	_ =	swait.ge [sflag:s3], $0x8000  }
0x41: {  	[sflag:s3] =	ssyncset.done $0x0  }
0x42: {  	[sflag:s3] =	ssyncadd.s32 $0xFFFF8000  }
0x43: {  	_ =	swait.ge [sflag:s8], $0x8000  }
0x44: {  	[sflag:s8] =	ssyncset.done $0x0  }
0x45: {  	[sflag:s8] =	ssyncadd.s32 $0xFFFF8000  }
0x46: {  	[hbm4b:s4+s2] =	stream.linear.scatter [tilespmem:s7], [sflag:$0x3], $0x8000, $0x38;
	[tilespmem:$0x10400] =	vst v63  }
0x47: {  	_ =	swait.ge [sflag:s3], $0x8000  }
0x48: {  	[sflag:s3] =	ssyncset.done $0x0  }
0x49: {  	[sflag:s3] =	ssyncadd.s32 $0xFFFF8000  }
0x4a: {  	[tilespmem:s2], [sflag:$0x3] =	stream.linear.gather [hbm4b:s14+s2], $0x200, $0x38;
	[tilespmem:$0x10400] =	vst v63  }
0x4b: {  	_ =	swait.ge [sflag:s3], $0x200  }
0x4c: {  	[sflag:s3] =	ssyncset.done $0x0  }
0x4d: {  	[sflag:s3] =	ssyncadd.s32 $0xFFFFFE00  }
0x4e: {  	v0 =	vld [tilespmem:$0x130]  }
0x4f: {  	v1 =	vld [tilespmem:$0x190]  }
0x50: {  	v2 =	vld [tilespmem:$0x110]  }
0x51: {  	v3 =	vld [tilespmem:$0x60]  }
0x52: {  	v4 =	vld [tilespmem:$0x70]  }
0x53: {  	v5 =	vld [tilespmem:$0x140]  }
0x54: {  	v6 =	vld [tilespmem:$0x0]  }
0x55: {  	v1 =	vshrl.u32 v1, $0x3;
	v2 =	vshrl.u32 v2, $0x3;
	v7 =	vld [tilespmem:$0x180]  }
0x56: {  	v0 =	vshrl.u32 v0, $0x3;
	v3 =	vshrl.u32 v3, $0x3;
	[tilespmem:$0x390] =	vst v1;
	v1 =	vld [tilespmem:$0x1B0]  }
0x57: {  	v8 =	vld [tilespmem:$0x10];
	[tilespmem:$0x260] =	vst v3;
	v3 =	vshrl.u32 v4, $0x3  }
0x58: {  	v4 =	vld [tilespmem:$0x120];
	[tilespmem:$0x330] =	vst v0;
	v0 =	vshrl.u32 v5, $0x3  }
0x59: {  	v5 =	vshrl.u32 v6, $0x3;
	v6 =	vld [tilespmem:$0x20];
	[tilespmem:$0x310] =	vst v2  }
0x5a: {  	[tilespmem:$0x340] =	vst v0;
	v0 =	vld [tilespmem:$0x170];
	v2 =	vshrl.u32 v7, $0x3  }
0x5b: {  	[tilespmem:$0x380] =	vst v2;
	v2 =	vld [tilespmem:$0x1A0];
	v1 =	vshrl.u32 v1, $0x3  }
0x5c: {  	v7 =	vshrl.u32 v8, $0x3;
	v8 =	vld [tilespmem:$0x160];
	[tilespmem:$0x3B0] =	vst v1  }
0x5d: {  	[tilespmem:$0x200] =	vst v5;
	v1 =	vshrl.u32 v4, $0x3;
	v4 =	vld [tilespmem:$0x1F0]  }
0x5e: {  	[tilespmem:$0x210] =	vst v7;
	v5 =	vshrl.u32 v6, $0x3;
	v6 =	vld [tilespmem:$0x1C0]  }
0x5f: {  	[tilespmem:$0x320] =	vst v1;
	v0 =	vshrl.u32 v0, $0x3;
	v1 =	vld [tilespmem:$0x1E0]  }
0x60: {  	[tilespmem:$0x220] =	vst v5;
	v5 =	vld [tilespmem:$0x100];
	v2 =	vshrl.u32 v2, $0x3  }
0x61: {  	v7 =	vld [tilespmem:$0xE0];
	v8 =	vshrl.u32 v8, $0x3;
	[tilespmem:$0x3A0] =	vst v2  }
0x62: {  	[tilespmem:$0x360] =	vst v8;
	v2 =	vld [tilespmem:$0x1D0];
	v4 =	vshrl.u32 v4, $0x3  }
0x63: {  	v8 =	vld [tilespmem:$0x40];
	v6 =	vshrl.u32 v6, $0x3;
	[tilespmem:$0x3F0] =	vst v4  }
0x64: {  	v4 =	vld [tilespmem:$0xD0];
	[tilespmem:$0x370] =	vst v0;
	v0 =	vshrl.u32 v1, $0x3  }
0x65: {  	v9 =	vld [tilespmem:$0xC0];
	v5 =	vshrl.u32 v5, $0x3;
	[tilespmem:$0x3C0] =	vst v6  }
0x66: {  	v6 =	vld [tilespmem:$0x30];
	v1 =	vshrl.u32 v7, $0x3;
	[tilespmem:$0x3E0] =	vst v0  }
0x67: {  	[tilespmem:$0x2E0] =	vst v1;
	v0 =	vshrl.u32 v2, $0x3  }
0x68: {  	v7 =	vshrl.u32 v8, $0x3;
	v8 =	vld [tilespmem:$0x50];
	[tilespmem:$0x3D0] =	vst v0  }
0x69: {  	[tilespmem:$0x270] =	vst v3;
	v10 =	vld [tilespmem:$0xB0];
	v0 =	vshrl.u32 v4, $0x3  }
.Ltmp2:
0x6a: {  	v1 =	vld [tilespmem:$0xA0];
	v3 =	vshrl.u32 v9, $0x3;
	[tilespmem:$0x2D0] =	vst v0;
	(pc) =	sbr.rel @p1 .LBB2_2-.Ltmp2, $4  }
0x6b: {  	v0 =	vshrl.u32 v6, $0x3;
	v2 =	vld [tilespmem:$0x90];
	[tilespmem:$0x2C0] =	vst v3  }
0x6c: {  	[tilespmem:$0x240] =	vst v7;
	v3 =	vld [tilespmem:$0xF0]  }
0x6d: {  	v6 =	vshrl.u32 v8, $0x3;
	[tilespmem:$0x300] =	vst v5;
	v4 =	vld [tilespmem:$0x150]  }
0x6e: {  	[tilespmem:$0x250] =	vst v6;
	v5 =	vld [tilespmem:$0x80];
	v6 =	vshrl.u32 v10, $0x3  }
.LBB2_3:
0x6f: {  	[tilespmem:$0x2B0] =	vst @p0 v6  }
0x70: {  	v1 =	vshrl.u32 @p0 v1, $0x3;
	[tilespmem:$0x230] =	vst @p0 v0  }
0x71: {  	v2 =	vshrl.u32 @p0 v2, $0x3;
	[tilespmem:$0x2A0] =	vst @p0 v1  }
0x72: {  	[tilespmem:$0x290] =	vst @p0 v2;
	v1 =	vshrl.u32 @p0 v3, $0x3  }
0x73: {  	[tilespmem:$0x2F0] =	vst @p0 v1;
	v1 =	vshrl.u32 @p0 v4, $0x3  }
0x74: {  	v2 =	vshrl.u32 @p0 v5, $0x3;
	[tilespmem:$0x350] =	vst @p0 v1  }
0x75: {  	[tilespmem:$0x280] =	vst @p0 v2  }
0x76: {  	[tilespmem:s9], [sflag:$0x1] =	stream.indirect.gather @p0 [hbm4b:s5+s10], $0x80, s11, s10, $0xb8;
	[tilespmem:$0x10400] =	vst v63  }
0x77: {  	_ = 	snop  }
0x78: {  	[tilespmem:s7], [sflag:$0x2] =	stream.indirect.gather @p0 [hbm4b:s5+s10], $0x80, s13, s10, $0xb8;
	[tilespmem:$0x10400] =	vst v63  }
0x79: {  	_ =	swait.ge @p0 [sflag:s12], $0x8000  }
0x7a: {  	[sflag:s12] =	ssyncset.done @p0 $0x0  }
0x7b: {  	[sflag:s12] =	ssyncadd.s32 @p0 $0xFFFF8000  }
0x7c: {  	[hbm4b:s6+s2] =	stream.linear.scatter @p0 [tilespmem:s9], [sflag:$0x3], $0x8000, $0x38;
	[tilespmem:$0x10400] =	vst v63  }
0x7d: {  	_ =	swait.ge @p0 [sflag:s3], $0x8000  }
0x7e: {  	[sflag:s3] =	ssyncset.done @p0 $0x0  }
0x7f: {  	[sflag:s3] =	ssyncadd.s32 @p0 $0xFFFF8000  }
0x80: {  	_ =	swait.ge @p0 [sflag:s8], $0x8000  }
0x81: {  	[sflag:s8] =	ssyncset.done @p0 $0x0  }
0x82: {  	[sflag:s8] =	ssyncadd.s32 @p0 $0xFFFF8000  }
0x83: {  	[hbm4b:s4+s2] =	stream.linear.scatter @p0 [tilespmem:s7], [sflag:$0x3], $0x8000, $0x38;
	[tilespmem:$0x10400] =	vst v63  }
0x84: {  	_ =	swait.ge @p0 [sflag:s3], $0x8000  }
0x85: {  	[sflag:s3] =	ssyncset.done @p0 $0x0  }
0x86: {  	[sflag:s3] =	ssyncadd.s32 @p0 $0xFFFF8000  }
0x87: {  	[tilespmem:s2], [sflag:$0x3] =	stream.linear.gather [hbm4b:s14+s2], $0x200, $0x38;
	[tilespmem:$0x10400] =	vst v63  }
0x88: {  	_ =	swait.ge [sflag:s3], $0x200  }
0x89: {  	[sflag:s3] =	ssyncset.done $0x0  }
0x8a: {  	[sflag:s3] =	ssyncadd.s32 $0xFFFFFE00  }
0x8b: {  	v19 =	vld [tilespmem:$0x190]  }
0x8c: {  	v20 =	vld [tilespmem:$0x60]  }
0x8d: {  	v21 =	vld [tilespmem:$0x130]  }
0x8e: {  	v22 =	vld [tilespmem:$0x110]  }
0x8f: {  	v23 =	vld [tilespmem:$0x140]  }
0x90: {  	v24 =	vld [tilespmem:$0x180];
	v0 =	vshrl.u32 v19, $0x3  }
0x91: {  	v26 =	vld [tilespmem:$0x0];
	v1 =	vshrl.u32 v20, $0x3;
	[tilespmem:$0x390] =	vst v0  }
0x92: {  	v28 =	vld [tilespmem:$0x10];
	v2 =	vshrl.u32 v21, $0x3;
	[tilespmem:$0x260] =	vst v1  }
0x93: {  	v30 =	vld [tilespmem:$0x20];
	v27 =	vshrl.u32 v22, $0x3;
	[tilespmem:$0x330] =	vst v2  }
0x94: {  	v32 =	vld [tilespmem:$0x1A0];
	v4 =	vshrl.u32 v23, $0x3;
	[tilespmem:$0x310] =	vst v27  }
0x95: {  	v34 =	vld [tilespmem:$0x160];
	v31 =	vshrl.u32 v24, $0x3;
	[tilespmem:$0x340] =	vst v4  }
0x96: {  	v36 =	vld [tilespmem:$0x1F0];
	v33 =	vshrl.u32 v26, $0x3;
	[tilespmem:$0x380] =	vst v31  }
0x97: {  	v37 =	vld [tilespmem:$0x170];
	v35 =	vshrl.u32 v28, $0x3;
	[tilespmem:$0x200] =	vst v33  }
0x98: {  	v44 =	vld [tilespmem:$0x70];
	v38 =	vshrl.u32 v30, $0x3;
	[tilespmem:$0x210] =	vst v35  }
0x99: {  	v50 =	vld [tilespmem:$0x50];
	v41 =	vshrl.u32 v32, $0x3;
	[tilespmem:$0x220] =	vst v38  }
0x9a: {  	v53 =	vld [tilespmem:$0x90];
	v6 =	vshrl.u32 v34, $0x3;
	[tilespmem:$0x3A0] =	vst v41  }
0x9b: {  	v54 =	vld [tilespmem:$0xF0];
	v3 =	vshrl.u32 v36, $0x3;
	[tilespmem:$0x360] =	vst v6  }
0x9c: {  	v56 =	vld [tilespmem:$0x150];
	v5 =	vshrl.u32 v37, $0x3;
	[tilespmem:$0x3F0] =	vst v3  }
0x9d: {  	v57 =	vld [tilespmem:$0x80];
	v49 =	vshrl.u32 v44, $0x3;
	[tilespmem:$0x370] =	vst v5  }
0x9e: {  	v58 =	vld [tilespmem:$0x30];
	v55 =	vshrl.u32 v50, $0x3;
	[tilespmem:$0x270] =	vst v49  }
0x9f: {  	v25 =	vld [tilespmem:$0x1B0];
	v59 =	vshrl.u32 v53, $0x3;
	[tilespmem:$0x250] =	vst v55  }
0xa0: {  	v29 =	vld [tilespmem:$0x120];
	v60 =	vshrl.u32 v54, $0x3;
	[tilespmem:$0x290] =	vst v59  }
0xa1: {  	v39 =	vld [tilespmem:$0x1C0];
	v61 =	vshrl.u32 v56, $0x3;
	[tilespmem:$0x2F0] =	vst v60  }
0xa2: {  	v42 =	vld [tilespmem:$0xE0];
	v62 =	vshrl.u32 v57, $0x3;
	[tilespmem:$0x350] =	vst v61  }
0xa3: {  	v45 =	vld [tilespmem:$0xD0];
	v63 =	vshrl.u32 v58, $0x3;
	[tilespmem:$0x280] =	vst v62  }
0xa4: {  	v46 =	vld [tilespmem:$0xC0];
	v0 =	vshrl.u32 v25, $0x3;
	[tilespmem:$0x230] =	vst v63  }
0xa5: {  	v40 =	vld [tilespmem:$0x1E0];
	v2 =	vshrl.u32 v29, $0x3;
	[tilespmem:$0x3B0] =	vst v0  }
0xa6: {  	v43 =	vld [tilespmem:$0x1D0];
	v1 =	vshrl.u32 v39, $0x3;
	[tilespmem:$0x320] =	vst v2  }
0xa7: {  	v47 =	vld [tilespmem:$0x40];
	v4 =	vshrl.u32 v42, $0x3;
	[tilespmem:$0x3C0] =	vst v1  }
0xa8: {  	v52 =	vld [tilespmem:$0xA0];
	v3 =	vshrl.u32 v45, $0x3;
	[tilespmem:$0x2E0] =	vst v4  }
0xa9: {  	v48 =	vld [tilespmem:$0x100];
	v5 =	vshrl.u32 v46, $0x3;
	[tilespmem:$0x2D0] =	vst v3  }
0xaa: {  	v51 =	vld [tilespmem:$0xB0];
	v2 =	vshrl.u32 v40, $0x3;
	[tilespmem:$0x2C0] =	vst v5  }
0xab: {  	v0 =	vshrl.u32 v43, $0x3;
	[tilespmem:$0x3E0] =	vst v2  }
0xac: {  	v1 =	vshrl.u32 v47, $0x3;
	[tilespmem:$0x3D0] =	vst v0  }
0xad: {  	v4 =	vshrl.u32 v52, $0x3;
	[tilespmem:$0x240] =	vst v1  }
0xae: {  	v2 =	vshrl.u32 v48, $0x3;
	[tilespmem:$0x2A0] =	vst v4  }
0xaf: {  	v0 =	vshrl.u32 v51, $0x3;
	[tilespmem:$0x300] =	vst v2  }
0xb0: {  	[tilespmem:$0x2B0] =	vst v0  }
0xb1: {  	[tilespmem:s9], [sflag:$0x1] =	stream.indirect.gather [hbm4b:s5+s10], $0x80, s11, s10, $0xb8;
	[tilespmem:$0x10400] =	vst v63  }
0xb2: {  	_ = 	snop  }
0xb3: {  	[tilespmem:s7], [sflag:$0x2] =	stream.indirect.gather [hbm4b:s5+s10], $0x80, s13, s10, $0xb8;
	[tilespmem:$0x10400] =	vst v63  }
0xb4: {  	_ =	swait.ge [sflag:s12], $0x8000  }
0xb5: {  	[sflag:s12] =	ssyncset.done $0x0  }
0xb6: {  	[sflag:s12] =	ssyncadd.s32 $0xFFFF8000  }
0xb7: {  	[hbm4b:s6+s2] =	stream.linear.scatter [tilespmem:s9], [sflag:$0x3], $0x8000, $0x38;
	[tilespmem:$0x10400] =	vst v63  }
0xb8: {  	_ =	swait.ge [sflag:s3], $0x8000  }
0xb9: {  	[sflag:s3] =	ssyncset.done $0x0  }
0xba: {  	[sflag:s3] =	ssyncadd.s32 $0xFFFF8000  }
0xbb: {  	_ =	swait.ge [sflag:s8], $0x8000  }
0xbc: {  	[sflag:s8] =	ssyncset.done $0x0  }
0xbd: {  	[sflag:s8] =	ssyncadd.s32 $0xFFFF8000  }
0xbe: {  	[hbm4b:s4+s2] =	stream.linear.scatter [tilespmem:s7], [sflag:$0x3], $0x8000, $0x38;
	[tilespmem:$0x10400] =	vst v63  }
0xbf: {  	_ =	swait.ge [sflag:s3], $0x8000  }
0xc0: {  	[sflag:s3] =	ssyncset.done $0x0  }
0xc1: {  	[sflag:s3] =	ssyncadd.s32 $0xFFFF8000  }
0xc2: {  	_ =	sfence.sel $0x180000  }
0xc3: {  	[bflag:$0x0] =	sbarrier.arrive $0xFFFF  }
0xc4: {  	p0 =	sne.s32 s0, $0x0;
	_ =	strace $0x9000004A  }
0xc5: {  	s0 =	sadd.s32 @!p0 $0x100000, s1;
	[bflag:$0x2] =	sbarrier.arrive $0xFFFF  }
0xc6: {  	[sflag:s0] =	ssyncadd.tile.s32 @!p0 $0x1;
	_ =	shalt  }
.Lfunc_end2:
_tile_overlayer_lowered:
.L_overlay_start_2:
0xc7: {  	(tag) =	ssettag $0x2  }
0xc8: {  	s0 =	rddreg [dreg:$0x0];
	s2 =	stileid.u32  }
0xc9: {  	s1 =	rddreg [dreg:$0x1];
	p0 =	sne.s32 s2, $0x0  }
0xca: {  	s3 =	rddreg [dreg:$0x2];
	[bflag:$0x3] =	sbarrier.arrive $0xFFFF;
	s2 =	simm.s32 @!p0 $0x1C03  }
0xcb: {  	[timem:s3], [sflag:s2] =	dma.local @!p0 [hbm:s0], s1  }
0xcc: {  	s0 =	simm.s32 @!p0 $0x3  }
0xcd: {  	_ =	swait.ge @!p0 [sflag:s0], s1  }
0xce: {  	s1 =	ssub.s32 @!p0 $0x0, s1;
	[sflag:s0] =	ssyncset.done @!p0 $0x0  }
0xcf: {  	[sflag:s0] =	ssyncadd.s32 @!p0 s1  }
0xd0: {  	[bflag:$0x3] =	sbarrier.arrive $0xFFFF  }
0xd1: {  	_ =	shalt  }

</sc_bundles>
